<compile_context>
chip_gen: v7x
topology: tpu7x:2x2x1
jax: 0.10.2.dev20260603
libtpu: 0.0.44.dev20260713+nightly
codegen_flags: <defaults>
</compile_context>

<pallas_src>
import functools

import jax
import jax.numpy as jnp
from jax import lax
from jax.experimental import pallas as pl
from jax.experimental.pallas import tpu as pltpu
from jax.experimental.pallas import tpu_sc as plsc

K = 32
HID = 32
N_DS = 100000
D_FEAT = 128
Q = 1024

GRP = 128
N_PAD = 100352
G = N_PAD // GRP
G_PAD = 896
QB = 256
QB1 = 1024
NB = 2048
NT = N_PAD // NB

BIG = 1e30
IBIG = 2**30


def _s1_body(q_ref, k_ref, ksq_ref, dist_ref, gmin_ref):
    q = q_ref[...]
    k = k_ref[...]
    qk2 = lax.dot_general(q * -2.0, k, (((1,), (1,)), ((), ())),
                          preferred_element_type=jnp.float32)
    q_sq = jnp.sum(q * q, axis=1, keepdims=True)
    dist = (q_sq + qk2) + ksq_ref[...]
    dist_ref[...] = dist
    g = jnp.min(dist.reshape(QB1, NB // GRP, GRP), axis=2)
    gmin_ref[...] = g.reshape(QB1, 1, 1, NB // GRP)


def _s2_body(gmin_ref, gids_ref, idxa_ref):
    qi = pl.program_id(0)
    lane = lax.broadcasted_iota(jnp.int32, (QB, G_PAD), 1)
    kiota = lax.broadcasted_iota(jnp.int32, (QB, K), 1)

    def step(k, carry):
        g, gacc = carry
        m = jnp.min(g, axis=1, keepdims=True)
        gid = jnp.min(jnp.where(g == m, lane, IBIG), axis=1, keepdims=True)
        gacc = jnp.where(kiota == k, gid, gacc)
        g = jnp.where(lane == gid, BIG, g)
        return g, gacc

    g0 = gmin_ref[...]
    _, gids = lax.fori_loop(0, K, step, (g0, jnp.zeros((QB, K), jnp.int32)))
    row = qi * QB + lax.broadcasted_iota(jnp.int32, (QB, K), 0)
    gids_ref[...] = gids
    idxa_ref[...] = row * G + gids


def _s4_body(cd_ref, cv_ref, gids_ref, mp_ref, w1_ref, b1_ref, w2_ref,
             b2_ref, out_ref):
    cd = cd_ref[...]
    cv = cv_ref[...]
    gids = gids_ref[...]
    off = lax.broadcasted_iota(jnp.int32, (QB, K, GRP), 2)
    gidx = (gids[:, :, None] * GRP + off).reshape(QB, K * GRP)
    kiota = lax.broadcasted_iota(jnp.int32, (QB, K), 1)

    def step(k, carry):
        cdc, dacc, vacc = carry
        m = jnp.min(cdc, axis=1, keepdims=True)
        sel = jnp.min(jnp.where(cdc == m, gidx, IBIG), axis=1, keepdims=True)
        hit = gidx == sel
        v = jnp.sum(jnp.where(hit, cv, 0.0), axis=1, keepdims=True)
        dacc = jnp.where(kiota == k, m, dacc)
        vacc = jnp.where(kiota == k, v, vacc)
        cdc = jnp.where(hit, BIG, cdc)
        return cdc, dacc, vacc

    zk = jnp.zeros((QB, K), jnp.float32)
    _, dmat, vmat = lax.fori_loop(0, K, step, (cd, zk, zk))
    net_in = jnp.concatenate([dmat, vmat], axis=1)
    h = lax.dot_general(net_in, w1_ref[...], (((1,), (0,)), ((), ())),
                        preferred_element_type=jnp.float32) + b1_ref[...]
    h = jnp.maximum(h, 0.0)
    logits = lax.dot_general(h, w2_ref[...], (((1,), (0,)), ((), ())),
                             preferred_element_type=jnp.float32) + b2_ref[...]
    mx = jnp.max(logits, axis=1, keepdims=True)
    e = jnp.exp(logits - mx)
    p = e / jnp.sum(e, axis=1, keepdims=True)
    knn_v = jnp.concatenate([mp_ref[...], vmat], axis=1)
    out_ref[...] = jnp.sum(p * knn_v, axis=1, keepdims=True)


def _sc_gather(dist_tbl, vals_tbl, idxa, gidx):
    info = plsc.get_sparse_core_info()
    nc, ns = info.num_cores, info.num_subcores
    nw = nc * ns
    b_tot = Q * K
    b_per_w = b_tot // nw
    ch = 128
    n_ch = b_per_w // ch
    mesh = plsc.VectorSubcoreMesh(core_axis_name="c", subcore_axis_name="s")

    @functools.partial(
        pl.kernel, mesh=mesh,
        out_type=[jax.ShapeDtypeStruct((b_tot, GRP), jnp.float32),
                  jax.ShapeDtypeStruct((b_tot, GRP), jnp.float32)],
        scratch_types=[
            pltpu.VMEM((n_ch, ch), jnp.int32),
            pltpu.VMEM((n_ch, ch), jnp.int32),
            pltpu.VMEM((2, ch, GRP), jnp.float32),
            pltpu.VMEM((2, ch, GRP), jnp.float32),
            pltpu.SemaphoreType.DMA,
            pltpu.SemaphoreType.DMA,
            pltpu.SemaphoreType.DMA,
            pltpu.SemaphoreType.DMA,
            pltpu.SemaphoreType.DMA,
            pltpu.SemaphoreType.DMA,
            pltpu.SemaphoreType.DMA,
            pltpu.SemaphoreType.DMA,
        ],
    )
    def k(dtbl, vtbl, ia, ib, outd, outv, ia_v, ib_v, rd_v, rv_v,
          semd0, semd1, semv0, semv1, semwd0, semwd1, semwv0, semwv1):
        wid = lax.axis_index("s") * nc + lax.axis_index("c")
        base = wid * b_per_w
        pltpu.sync_copy(ia.at[pl.ds(wid * n_ch, n_ch)], ia_v)
        pltpu.sync_copy(ib.at[pl.ds(wid * n_ch, n_ch)], ib_v)
        semd = (semd0, semd1)
        semv = (semv0, semv1)
        semwd = (semwd0, semwd1)
        semwv = (semwv0, semwv1)
        gathers, writes = {}, {}

        def start(c):
            buf = c % 2
            gathers[c] = (
                pltpu.async_copy(dtbl.at[ia_v.at[c]], rd_v.at[buf], semd[buf]),
                pltpu.async_copy(vtbl.at[ib_v.at[c]], rv_v.at[buf], semv[buf]),
            )

        start(0)
        start(1)
        for c in range(n_ch):
            buf = c % 2
            cp_d, cp_v = gathers.pop(c)
            cp_d.wait()
            cp_v.wait()
            writes[c] = (
                pltpu.async_copy(rd_v.at[buf], outd.at[pl.ds(base + c * ch, ch)],
                                 semwd[buf]),
                pltpu.async_copy(rv_v.at[buf], outv.at[pl.ds(base + c * ch, ch)],
                                 semwv[buf]),
            )
            if c + 2 < n_ch:
                wd, wv = writes.pop(c)
                wd.wait()
                wv.wait()
                start(c + 2)
        for c in list(writes):
            wd, wv = writes.pop(c)
            wd.wait()
            wv.wait()

    return k(dist_tbl, vals_tbl, idxa.reshape(-1, ch), gidx.reshape(-1, ch))


def kernel(model_prediction, query, keys_ds, vals_ds, W1, b1, W2, b2):
    keys_pad = jnp.pad(keys_ds, ((0, N_PAD - N_DS), (0, 0)))
    vals_pad = jnp.pad(vals_ds, (0, N_PAD - N_DS))

    ksq = jnp.sum(keys_ds * keys_ds, axis=-1)
    ksq_row = jnp.concatenate(
        [ksq, jnp.full((N_PAD - N_DS,), BIG, jnp.float32)]).reshape(1, N_PAD)

    dists, gmin4 = pl.pallas_call(
        _s1_body,
        grid=(Q // QB1, NT),
        in_specs=[
            pl.BlockSpec((QB1, D_FEAT), lambda qi, ni: (qi, 0)),
            pl.BlockSpec((NB, D_FEAT), lambda qi, ni: (ni, 0)),
            pl.BlockSpec((1, NB), lambda qi, ni: (0, ni)),
        ],
        out_specs=[
            pl.BlockSpec((QB1, NB), lambda qi, ni: (qi, ni)),
            pl.BlockSpec((QB1, 1, 1, NB // GRP), lambda qi, ni: (qi, ni, 0, 0)),
        ],
        out_shape=[
            jax.ShapeDtypeStruct((Q, N_PAD), jnp.float32),
            jax.ShapeDtypeStruct((Q, NT, 1, NB // GRP), jnp.float32),
        ],
    )(query, keys_pad, ksq_row)

    gmin = jnp.pad(gmin4.reshape(Q, G), ((0, 0), (0, G_PAD - G)),
                   constant_values=BIG)

    gids, idxa = pl.pallas_call(
        _s2_body,
        grid=(Q // QB,),
        in_specs=[pl.BlockSpec((QB, G_PAD), lambda qi: (qi, 0))],
        out_specs=[pl.BlockSpec((QB, K), lambda qi: (qi, 0)),
                   pl.BlockSpec((QB, K), lambda qi: (qi, 0))],
        out_shape=[jax.ShapeDtypeStruct((Q, K), jnp.int32),
                   jax.ShapeDtypeStruct((Q, K), jnp.int32)],
    )(gmin)

    cand_d, cand_v = _sc_gather(dists.reshape(Q * G, GRP),
                                vals_pad.reshape(G, GRP), idxa, gids)

    out = pl.pallas_call(
        _s4_body,
        grid=(Q // QB,),
        in_specs=[
            pl.BlockSpec((QB, K * GRP), lambda qi: (qi, 0)),
            pl.BlockSpec((QB, K * GRP), lambda qi: (qi, 0)),
            pl.BlockSpec((QB, K), lambda qi: (qi, 0)),
            pl.BlockSpec((QB, 1), lambda qi: (qi, 0)),
            pl.BlockSpec((2 * K, HID), lambda qi: (0, 0)),
            pl.BlockSpec((1, HID), lambda qi: (0, 0)),
            pl.BlockSpec((HID, 1 + K), lambda qi: (0, 0)),
            pl.BlockSpec((1, 1 + K), lambda qi: (0, 0)),
        ],
        out_specs=pl.BlockSpec((QB, 1), lambda qi: (qi, 0)),
        out_shape=jax.ShapeDtypeStruct((Q, 1), jnp.float32),
    )(cand_d.reshape(Q, K * GRP), cand_v.reshape(Q, K * GRP), gids,
      model_prediction, W1, b1.reshape(1, HID), W2, b2.reshape(1, 1 + K))

    return out.reshape(Q)

# --- scband reference (transcript-rebuilt; emitter-appended) ---
"""Pipeline reference for scband-knn-meta-network-74320114090099 (READ-ONLY COPY).

The authoritative reference and input builder live on the scoring server;
editing this copy changes nothing except your own understanding.
"""

import jax, jax.numpy as jnp
import numpy as np

K = 32
HID = 32
N_DSTORE = 100000
D_FEAT = 128
Q = 1024


def setup_inputs(seed: int = 0) -> dict:
    key = jax.random.key(seed)
    ks = jax.random.split(key, 8)
    model_prediction = jax.random.uniform(ks[0], (Q, 1), dtype=jnp.float32)
    query = jax.random.normal(ks[1], (Q, D_FEAT), dtype=jnp.float32)
    keys_ds = jax.random.normal(ks[2], (N_DSTORE, D_FEAT), dtype=jnp.float32)
    vals_ds = jax.random.uniform(ks[3], (N_DSTORE,), dtype=jnp.float32)
    W1 = jax.random.normal(ks[4], (2 * K, HID), dtype=jnp.float32) * 0.05
    b1 = jnp.zeros((HID,), dtype=jnp.float32)
    W2 = jax.random.normal(ks[5], (HID, 1 + K), dtype=jnp.float32) * 0.05
    b2 = jnp.zeros((1 + K,), dtype=jnp.float32)
    return {"model_prediction": model_prediction, "query": query,
            "keys_ds": keys_ds, "vals_ds": vals_ds,
            "W1": W1, "b1": b1, "W2": W2, "b2": b2}


def reference(model_prediction, query, keys_ds, vals_ds, W1, b1, W2, b2):
    # KNN_Dstore_V3.retrieve_label: brute-force L2 kNN over the datastore
    q_sq = jnp.sum(query * query, axis=-1, keepdims=True)          # [Q, 1]
    k_sq = jnp.sum(keys_ds * keys_ds, axis=-1)                      # [N]
    dists = q_sq - 2.0 * (query @ keys_ds.T) + k_sq[None, :]        # [Q, N]
    neg_top, I = jax.lax.top_k(-dists, K)                           # nearest K
    D = -neg_top                                                    # [Q, K] ascending L2 distances
    V = jnp.take(vals_ds, I, axis=0)                                # [Q, K] retrieved values
    # label_value_as_feature=True: network_inputs = cat(D.detach(), V.detach())
    net_in = jnp.concatenate([jax.lax.stop_gradient(D), jax.lax.stop_gradient(V)], axis=-1)  # [Q, 2K]
    h = jax.nn.relu(net_in @ W1 + b1)                               # dropout p=0.0 -> identity
    net_out = jax.nn.softmax(h @ W2 + b2, axis=-1)                  # [Q, 1+K]
    knn_V = jnp.concatenate([model_prediction, V], axis=-1)         # [Q, 1+K]
    final_result = jnp.sum(net_out * knn_V, axis=-1)                # [Q]
    return final_result

if __name__ == "__main__":
    import jax
    _d = setup_inputs()
    print(jax.jit(kernel)(*tuple(_d.values())))

</pallas_src>

<mosaic_0001>
#map = affine_map<(d0, d1) -> (0, 0)>
module attributes {stable_mosaic.version = 14 : i64} {
  func.func @k(%arg0: i32, %arg1: i32, %arg2: memref<802816x128xf32, #tpu.memory_space<hbm>>, %arg3: memref<784x128xf32, #tpu.memory_space<hbm>>, %arg4: memref<256x128xi32, #tpu.memory_space<hbm>>, %arg5: memref<256x128xi32, #tpu.memory_space<hbm>>, %arg6: memref<32768x128xf32, #tpu.memory_space<hbm>>, %arg7: memref<32768x128xf32, #tpu.memory_space<hbm>>, %arg8: memref<8x128xi32, #tpu.memory_space<vmem>>, %arg9: memref<8x128xi32, #tpu.memory_space<vmem>>, %arg10: memref<2x128x128xf32, #tpu.memory_space<vmem>>, %arg11: memref<2x128x128xf32, #tpu.memory_space<vmem>>, %arg12: memref<!tpu.dma_semaphore, #tpu.memory_space<semaphore_mem>>, %arg13: memref<!tpu.dma_semaphore, #tpu.memory_space<semaphore_mem>>, %arg14: memref<!tpu.dma_semaphore, #tpu.memory_space<semaphore_mem>>, %arg15: memref<!tpu.dma_semaphore, #tpu.memory_space<semaphore_mem>>, %arg16: memref<!tpu.dma_semaphore, #tpu.memory_space<semaphore_mem>>, %arg17: memref<!tpu.dma_semaphore, #tpu.memory_space<semaphore_mem>>, %arg18: memref<!tpu.dma_semaphore, #tpu.memory_space<semaphore_mem>>, %arg19: memref<!tpu.dma_semaphore, #tpu.memory_space<semaphore_mem>>) attributes {dimension_semantics = [#tpu.dimension_semantics<core_parallel>, #tpu.dimension_semantics<subcore_parallel>], iteration_bounds = array<i64: 2, 16>, scalar_prefetch = 0 : i64, scratch_operands = 12 : i64, tpu.core_type = #tpu.core_type<sc_vector_subcore>, window_params = [{transform_indices = #map}, {transform_indices = #map}, {transform_indices = #map}, {transform_indices = #map}, {transform_indices = #map}, {transform_indices = #map}]} {
    %mul3A = arith.constant 2 : i32
    %mul3A_0 = arith.muli %arg1, %mul3A : i32
    %add3A = arith.addi %mul3A_0, %arg0 : i32
    %mul3A_1 = arith.constant 1024 : i32
    %mul3A_2 = arith.muli %add3A, %mul3A_1 : i32
    %mul3A_3 = arith.constant 8 : i32
    %mul3A_4 = arith.muli %add3A, %mul3A_3 : i32
    "tpu.region"() ({
      %run_scoped3A = tpu.sem_alloc : memref<!tpu.dma_semaphore, #tpu.memory_space<semaphore_mem>>
      %dma_start3A_837 = arith.constant 0 : i32
      %dma_start3A_838 = tpu.memref_slice %arg4[%mul3A_4, %dma_start3A_837] : memref<256x128xi32, #tpu.memory_space<hbm>> -> memref<8x128xi32, #tpu.memory_space<hbm>>
      %dma_start3A_839 = arith.constant 0 : i32
      %dma_start3A_840 = tpu.memref_slice %arg4[%mul3A_4, %dma_start3A_839] : memref<256x128xi32, #tpu.memory_space<hbm>> -> memref<8x128xi32, #tpu.memory_space<hbm>>
      tpu.enqueue_dma source(%dma_start3A_840 : memref<8x128xi32, #tpu.memory_space<hbm>>) target(%arg8 : memref<8x128xi32, #tpu.memory_space<vmem>>) target_semaphore(%run_scoped3A : memref<!tpu.dma_semaphore, #tpu.memory_space<semaphore_mem>>)
      %dma_wait3A_841 = arith.constant 0 : i32
      %dma_wait3A_842 = tpu.memref_slice %arg4[%mul3A_4, %dma_wait3A_841] : memref<256x128xi32, #tpu.memory_space<hbm>> -> memref<8x128xi32, #tpu.memory_space<hbm>>
      %dma_wait3A_843 = arith.constant 0 : i32
      %dma_wait3A_844 = tpu.memref_slice %arg4[%mul3A_4, %dma_wait3A_843] : memref<256x128xi32, #tpu.memory_space<hbm>> -> memref<8x128xi32, #tpu.memory_space<hbm>>
      tpu.wait_dma2 semaphore(%run_scoped3A : memref<!tpu.dma_semaphore, #tpu.memory_space<semaphore_mem>>) src(%dma_wait3A_844 : memref<8x128xi32, #tpu.memory_space<hbm>>) dst(%arg8 : memref<8x128xi32, #tpu.memory_space<vmem>>)
      tpu.yield
    }) : () -> ()
    %mul3A_5 = arith.constant 8 : i32
    %mul3A_6 = arith.muli %add3A, %mul3A_5 : i32
    "tpu.region"() ({
      %run_scoped3A = tpu.sem_alloc : memref<!tpu.dma_semaphore, #tpu.memory_space<semaphore_mem>>
      %dma_start3A_837 = arith.constant 0 : i32
      %dma_start3A_838 = tpu.memref_slice %arg5[%mul3A_6, %dma_start3A_837] : memref<256x128xi32, #tpu.memory_space<hbm>> -> memref<8x128xi32, #tpu.memory_space<hbm>>
      %dma_start3A_839 = arith.constant 0 : i32
      %dma_start3A_840 = tpu.memref_slice %arg5[%mul3A_6, %dma_start3A_839] : memref<256x128xi32, #tpu.memory_space<hbm>> -> memref<8x128xi32, #tpu.memory_space<hbm>>
      tpu.enqueue_dma source(%dma_start3A_840 : memref<8x128xi32, #tpu.memory_space<hbm>>) target(%arg9 : memref<8x128xi32, #tpu.memory_space<vmem>>) target_semaphore(%run_scoped3A : memref<!tpu.dma_semaphore, #tpu.memory_space<semaphore_mem>>)
      %dma_wait3A_841 = arith.constant 0 : i32
      %dma_wait3A_842 = tpu.memref_slice %arg5[%mul3A_6, %dma_wait3A_841] : memref<256x128xi32, #tpu.memory_space<hbm>> -> memref<8x128xi32, #tpu.memory_space<hbm>>
      %dma_wait3A_843 = arith.constant 0 : i32
      %dma_wait3A_844 = tpu.memref_slice %arg5[%mul3A_6, %dma_wait3A_843] : memref<256x128xi32, #tpu.memory_space<hbm>> -> memref<8x128xi32, #tpu.memory_space<hbm>>
      tpu.wait_dma2 semaphore(%run_scoped3A : memref<!tpu.dma_semaphore, #tpu.memory_space<semaphore_mem>>) src(%dma_wait3A_844 : memref<8x128xi32, #tpu.memory_space<hbm>>) dst(%arg9 : memref<8x128xi32, #tpu.memory_space<vmem>>)
      tpu.yield
    }) : () -> ()
    %dma_start3A = arith.constant 0 : i32
    %dma_start3A_7 = arith.constant 0 : i32
    %dma_start3A_8 = arith.constant 0 : i32
    %dma_start3A_9 = arith.constant 0 : i32
    %dma_start3A_10 = tpu.memref_slice %arg10[%dma_start3A_7, %dma_start3A_8, %dma_start3A_9] : memref<2x128x128xf32, #tpu.memory_space<vmem>> -> memref<1x128x128xf32, #tpu.memory_space<vmem>>
    %dma_start3A_11 = tpu.memref_squeeze %dma_start3A_10 : memref<1x128x128xf32, #tpu.memory_space<vmem>> -> memref<128x128xf32, #tpu.memory_space<vmem>>
    %dma_start3A_12 = arith.constant 0 : i32
    %dma_start3A_13 = tpu.memref_slice %arg8[%dma_start3A, %dma_start3A_12] : memref<8x128xi32, #tpu.memory_space<vmem>> -> memref<1x128xi32, #tpu.memory_space<vmem>>
    %dma_start3A_14 = tpu.memref_squeeze %dma_start3A_13 : memref<1x128xi32, #tpu.memory_space<vmem>> -> memref<128xi32, #tpu.memory_space<vmem>>
    %dma_start3A_15 = arith.constant 0 : i32
    %dma_start3A_16 = arith.constant 0 : i32
    %dma_start3A_17 = tpu.memref_slice %arg2[%dma_start3A_15, %dma_start3A_16] : memref<802816x128xf32, #tpu.memory_space<hbm>> -> memref<802816x128xf32, #tpu.memory_space<hbm>>
    tpu.enqueue_indirect_dma source(%dma_start3A_17 : memref<802816x128xf32, #tpu.memory_space<hbm>>) target(%dma_start3A_11 : memref<128x128xf32, #tpu.memory_space<vmem>>) offsets(%dma_start3A_14 : memref<128xi32, #tpu.memory_space<vmem>>) semaphore(%arg12 : memref<!tpu.dma_semaphore, #tpu.memory_space<semaphore_mem>>)
    %dma_start3A_18 = arith.constant 0 : i32
    %dma_start3A_19 = arith.constant 0 : i32
    %dma_start3A_20 = arith.constant 0 : i32
    %dma_start3A_21 = arith.constant 0 : i32
    %dma_start3A_22 = tpu.memref_slice %arg11[%dma_start3A_19, %dma_start3A_20, %dma_start3A_21] : memref<2x128x128xf32, #tpu.memory_space<vmem>> -> memref<1x128x128xf32, #tpu.memory_space<vmem>>
    %dma_start3A_23 = tpu.memref_squeeze %dma_start3A_22 : memref<1x128x128xf32, #tpu.memory_space<vmem>> -> memref<128x128xf32, #tpu.memory_space<vmem>>
    %dma_start3A_24 = arith.constant 0 : i32
    %dma_start3A_25 = tpu.memref_slice %arg9[%dma_start3A_18, %dma_start3A_24] : memref<8x128xi32, #tpu.memory_space<vmem>> -> memref<1x128xi32, #tpu.memory_space<vmem>>
    %dma_start3A_26 = tpu.memref_squeeze %dma_start3A_25 : memref<1x128xi32, #tpu.memory_space<vmem>> -> memref<128xi32, #tpu.memory_space<vmem>>
    %dma_start3A_27 = arith.constant 0 : i32
    %dma_start3A_28 = arith.constant 0 : i32
    %dma_start3A_29 = tpu.memref_slice %arg3[%dma_start3A_27, %dma_start3A_28] : memref<784x128xf32, #tpu.memory_space<hbm>> -> memref<784x128xf32, #tpu.memory_space<hbm>>
    tpu.enqueue_indirect_dma source(%dma_start3A_29 : memref<784x128xf32, #tpu.memory_space<hbm>>) target(%dma_start3A_23 : memref<128x128xf32, #tpu.memory_space<vmem>>) offsets(%dma_start3A_26 : memref<128xi32, #tpu.memory_space<vmem>>) semaphore(%arg14 : memref<!tpu.dma_semaphore, #tpu.memory_space<semaphore_mem>>)
    %dma_start3A_30 = arith.constant 1 : i32
    %dma_start3A_31 = arith.constant 1 : i32
    %dma_start3A_32 = arith.constant 0 : i32
    %dma_start3A_33 = arith.constant 0 : i32
    %dma_start3A_34 = tpu.memref_slice %arg10[%dma_start3A_31, %dma_start3A_32, %dma_start3A_33] : memref<2x128x128xf32, #tpu.memory_space<vmem>> -> memref<1x128x128xf32, #tpu.memory_space<vmem>>
    %dma_start3A_35 = tpu.memref_squeeze %dma_start3A_34 : memref<1x128x128xf32, #tpu.memory_space<vmem>> -> memref<128x128xf32, #tpu.memory_space<vmem>>
    %dma_start3A_36 = arith.constant 0 : i32
    %dma_start3A_37 = tpu.memref_slice %arg8[%dma_start3A_30, %dma_start3A_36] : memref<8x128xi32, #tpu.memory_space<vmem>> -> memref<1x128xi32, #tpu.memory_space<vmem>>
    %dma_start3A_38 = tpu.memref_squeeze %dma_start3A_37 : memref<1x128xi32, #tpu.memory_space<vmem>> -> memref<128xi32, #tpu.memory_space<vmem>>
    %dma_start3A_39 = arith.constant 0 : i32
    %dma_start3A_40 = arith.constant 0 : i32
    %dma_start3A_41 = tpu.memref_slice %arg2[%dma_start3A_39, %dma_start3A_40] : memref<802816x128xf32, #tpu.memory_space<hbm>> -> memref<802816x128xf32, #tpu.memory_space<hbm>>
    tpu.enqueue_indirect_dma source(%dma_start3A_41 : memref<802816x128xf32, #tpu.memory_space<hbm>>) target(%dma_start3A_35 : memref<128x128xf32, #tpu.memory_space<vmem>>) offsets(%dma_start3A_38 : memref<128xi32, #tpu.memory_space<vmem>>) semaphore(%arg13 : memref<!tpu.dma_semaphore, #tpu.memory_space<semaphore_mem>>)
    %dma_start3A_42 = arith.constant 1 : i32
    %dma_start3A_43 = arith.constant 1 : i32
    %dma_start3A_44 = arith.constant 0 : i32
    %dma_start3A_45 = arith.constant 0 : i32
    %dma_start3A_46 = tpu.memref_slice %arg11[%dma_start3A_43, %dma_start3A_44, %dma_start3A_45] : memref<2x128x128xf32, #tpu.memory_space<vmem>> -> memref<1x128x128xf32, #tpu.memory_space<vmem>>
    %dma_start3A_47 = tpu.memref_squeeze %dma_start3A_46 : memref<1x128x128xf32, #tpu.memory_space<vmem>> -> memref<128x128xf32, #tpu.memory_space<vmem>>
    %dma_start3A_48 = arith.constant 0 : i32
    %dma_start3A_49 = tpu.memref_slice %arg9[%dma_start3A_42, %dma_start3A_48] : memref<8x128xi32, #tpu.memory_space<vmem>> -> memref<1x128xi32, #tpu.memory_space<vmem>>
    %dma_start3A_50 = tpu.memref_squeeze %dma_start3A_49 : memref<1x128xi32, #tpu.memory_space<vmem>> -> memref<128xi32, #tpu.memory_space<vmem>>
    %dma_start3A_51 = arith.constant 0 : i32
    %dma_start3A_52 = arith.constant 0 : i32
    %dma_start3A_53 = tpu.memref_slice %arg3[%dma_start3A_51, %dma_start3A_52] : memref<784x128xf32, #tpu.memory_space<hbm>> -> memref<784x128xf32, #tpu.memory_space<hbm>>
    tpu.enqueue_indirect_dma source(%dma_start3A_53 : memref<784x128xf32, #tpu.memory_space<hbm>>) target(%dma_start3A_47 : memref<128x128xf32, #tpu.memory_space<vmem>>) offsets(%dma_start3A_50 : memref<128xi32, #tpu.memory_space<vmem>>) semaphore(%arg15 : memref<!tpu.dma_semaphore, #tpu.memory_space<semaphore_mem>>)
    %dma_wait3A = arith.constant 0 : i32
    %dma_wait3A_54 = arith.constant 0 : i32
    %dma_wait3A_55 = arith.constant 0 : i32
    %dma_wait3A_56 = arith.constant 0 : i32
    %dma_wait3A_57 = tpu.memref_slice %arg10[%dma_wait3A_54, %dma_wait3A_55, %dma_wait3A_56] : memref<2x128x128xf32, #tpu.memory_space<vmem>> -> memref<1x128x128xf32, #tpu.memory_space<vmem>>
    %dma_wait3A_58 = tpu.memref_squeeze %dma_wait3A_57 : memref<1x128x128xf32, #tpu.memory_space<vmem>> -> memref<128x128xf32, #tpu.memory_space<vmem>>
    %dma_wait3A_59 = arith.constant 0 : i32
    %dma_wait3A_60 = tpu.memref_slice %arg8[%dma_wait3A, %dma_wait3A_59] : memref<8x128xi32, #tpu.memory_space<vmem>> -> memref<1x128xi32, #tpu.memory_space<vmem>>
    %dma_wait3A_61 = tpu.memref_squeeze %dma_wait3A_60 : memref<1x128xi32, #tpu.memory_space<vmem>> -> memref<128xi32, #tpu.memory_space<vmem>>
    %dma_wait3A_62 = arith.constant 0 : i32
    %dma_wait3A_63 = arith.constant 0 : i32
    %dma_wait3A_64 = tpu.memref_slice %arg2[%dma_wait3A_62, %dma_wait3A_63] : memref<802816x128xf32, #tpu.memory_space<hbm>> -> memref<802816x128xf32, #tpu.memory_space<hbm>>
    tpu.wait_indirect_dma semaphore(%arg12 : memref<!tpu.dma_semaphore, #tpu.memory_space<semaphore_mem>>) src(%dma_wait3A_64 : memref<802816x128xf32, #tpu.memory_space<hbm>>) dst(%dma_wait3A_58 : memref<128x128xf32, #tpu.memory_space<vmem>>)
    %dma_wait3A_65 = arith.constant 0 : i32
    %dma_wait3A_66 = arith.constant 0 : i32
    %dma_wait3A_67 = arith.constant 0 : i32
    %dma_wait3A_68 = arith.constant 0 : i32
    %dma_wait3A_69 = tpu.memref_slice %arg11[%dma_wait3A_66, %dma_wait3A_67, %dma_wait3A_68] : memref<2x128x128xf32, #tpu.memory_space<vmem>> -> memref<1x128x128xf32, #tpu.memory_space<vmem>>
    %dma_wait3A_70 = tpu.memref_squeeze %dma_wait3A_69 : memref<1x128x128xf32, #tpu.memory_space<vmem>> -> memref<128x128xf32, #tpu.memory_space<vmem>>
    %dma_wait3A_71 = arith.constant 0 : i32
    %dma_wait3A_72 = tpu.memref_slice %arg9[%dma_wait3A_65, %dma_wait3A_71] : memref<8x128xi32, #tpu.memory_space<vmem>> -> memref<1x128xi32, #tpu.memory_space<vmem>>
    %dma_wait3A_73 = tpu.memref_squeeze %dma_wait3A_72 : memref<1x128xi32, #tpu.memory_space<vmem>> -> memref<128xi32, #tpu.memory_space<vmem>>
    %dma_wait3A_74 = arith.constant 0 : i32
    %dma_wait3A_75 = arith.constant 0 : i32
    %dma_wait3A_76 = tpu.memref_slice %arg3[%dma_wait3A_74, %dma_wait3A_75] : memref<784x128xf32, #tpu.memory_space<hbm>> -> memref<784x128xf32, #tpu.memory_space<hbm>>
    tpu.wait_indirect_dma semaphore(%arg14 : memref<!tpu.dma_semaphore, #tpu.memory_space<semaphore_mem>>) src(%dma_wait3A_76 : memref<784x128xf32, #tpu.memory_space<hbm>>) dst(%dma_wait3A_70 : memref<128x128xf32, #tpu.memory_space<vmem>>)
    %add3A_77 = arith.constant 0 : i32
    %add3A_78 = arith.addi %mul3A_2, %add3A_77 : i32
    %dma_start3A_79 = arith.constant 0 : i32
    %dma_start3A_80 = arith.constant 0 : i32
    %dma_start3A_81 = arith.constant 0 : i32
    %dma_start3A_82 = tpu.memref_slice %arg10[%dma_start3A_79, %dma_start3A_80, %dma_start3A_81] : memref<2x128x128xf32, #tpu.memory_space<vmem>> -> memref<1x128x128xf32, #tpu.memory_space<vmem>>
    %dma_start3A_83 = tpu.memref_squeeze %dma_start3A_82 : memref<1x128x128xf32, #tpu.memory_space<vmem>> -> memref<128x128xf32, #tpu.memory_space<vmem>>
    %dma_start3A_84 = arith.constant 0 : i32
    %dma_start3A_85 = tpu.memref_slice %arg6[%add3A_78, %dma_start3A_84] : memref<32768x128xf32, #tpu.memory_space<hbm>> -> memref<128x128xf32, #tpu.memory_space<hbm>>
    %dma_start3A_86 = arith.constant 0 : i32
    %dma_start3A_87 = tpu.memref_slice %arg6[%add3A_78, %dma_start3A_86] : memref<32768x128xf32, #tpu.memory_space<hbm>> -> memref<128x128xf32, #tpu.memory_space<hbm>>
    %dma_start3A_88 = arith.constant 0 : i32
    %dma_start3A_89 = arith.constant 0 : i32
    %dma_start3A_90 = tpu.memref_slice %arg10[%dma_start3A_79, %dma_start3A_88, %dma_start3A_89] : memref<2x128x128xf32, #tpu.memory_space<vmem>> -> memref<1x128x128xf32, #tpu.memory_space<vmem>>
    %dma_start3A_91 = tpu.memref_squeeze %dma_start3A_90 : memref<1x128x128xf32, #tpu.memory_space<vmem>> -> memref<128x128xf32, #tpu.memory_space<vmem>>
    tpu.enqueue_dma source(%dma_start3A_91 : memref<128x128xf32, #tpu.memory_space<vmem>>) target(%dma_start3A_87 : memref<128x128xf32, #tpu.memory_space<hbm>>) target_semaphore(%arg16 : memref<!tpu.dma_semaphore, #tpu.memory_space<semaphore_mem>>)
    %add3A_92 = arith.constant 0 : i32
    %add3A_93 = arith.addi %mul3A_2, %add3A_92 : i32
    %dma_start3A_94 = arith.constant 0 : i32
    %dma_start3A_95 = arith.constant 0 : i32
    %dma_start3A_96 = arith.constant 0 : i32
    %dma_start3A_97 = tpu.memref_slice %arg11[%dma_start3A_94, %dma_start3A_95, %dma_start3A_96] : memref<2x128x128xf32, #tpu.memory_space<vmem>> -> memref<1x128x128xf32, #tpu.memory_space<vmem>>
    %dma_start3A_98 = tpu.memref_squeeze %dma_start3A_97 : memref<1x128x128xf32, #tpu.memory_space<vmem>> -> memref<128x128xf32, #tpu.memory_space<vmem>>
    %dma_start3A_99 = arith.constant 0 : i32
    %dma_start3A_100 = tpu.memref_slice %arg7[%add3A_93, %dma_start3A_99] : memref<32768x128xf32, #tpu.memory_space<hbm>> -> memref<128x128xf32, #tpu.memory_space<hbm>>
    %dma_start3A_101 = arith.constant 0 : i32
    %dma_start3A_102 = tpu.memref_slice %arg7[%add3A_93, %dma_start3A_101] : memref<32768x128xf32, #tpu.memory_space<hbm>> -> memref<128x128xf32, #tpu.memory_space<hbm>>
    %dma_start3A_103 = arith.constant 0 : i32
    %dma_start3A_104 = arith.constant 0 : i32
    %dma_start3A_105 = tpu.memref_slice %arg11[%dma_start3A_94, %dma_start3A_103, %dma_start3A_104] : memref<2x128x128xf32, #tpu.memory_space<vmem>> -> memref<1x128x128xf32, #tpu.memory_space<vmem>>
    %dma_start3A_106 = tpu.memref_squeeze %dma_start3A_105 : memref<1x128x128xf32, #tpu.memory_space<vmem>> -> memref<128x128xf32, #tpu.memory_space<vmem>>
    tpu.enqueue_dma source(%dma_start3A_106 : memref<128x128xf32, #tpu.memory_space<vmem>>) target(%dma_start3A_102 : memref<128x128xf32, #tpu.memory_space<hbm>>) target_semaphore(%arg18 : memref<!tpu.dma_semaphore, #tpu.memory_space<semaphore_mem>>)
    %dma_wait3A_107 = arith.constant 0 : i32
    %dma_wait3A_108 = arith.constant 0 : i32
    %dma_wait3A_109 = arith.constant 0 : i32
    %dma_wait3A_110 = tpu.memref_slice %arg10[%dma_wait3A_107, %dma_wait3A_108, %dma_wait3A_109] : memref<2x128x128xf32, #tpu.memory_space<vmem>> -> memref<1x128x128xf32, #tpu.memory_space<vmem>>
    %dma_wait3A_111 = tpu.memref_squeeze %dma_wait3A_110 : memref<1x128x128xf32, #tpu.memory_space<vmem>> -> memref<128x128xf32, #tpu.memory_space<vmem>>
    %dma_wait3A_112 = arith.constant 0 : i32
    %dma_wait3A_113 = tpu.memref_slice %arg6[%add3A_78, %dma_wait3A_112] : memref<32768x128xf32, #tpu.memory_space<hbm>> -> memref<128x128xf32, #tpu.memory_space<hbm>>
    %dma_wait3A_114 = arith.constant 0 : i32
    %dma_wait3A_115 = tpu.memref_slice %arg6[%add3A_78, %dma_wait3A_114] : memref<32768x128xf32, #tpu.memory_space<hbm>> -> memref<128x128xf32, #tpu.memory_space<hbm>>
    %dma_wait3A_116 = arith.constant 0 : i32
    %dma_wait3A_117 = arith.constant 0 : i32
    %dma_wait3A_118 = tpu.memref_slice %arg10[%dma_wait3A_107, %dma_wait3A_116, %dma_wait3A_117] : memref<2x128x128xf32, #tpu.memory_space<vmem>> -> memref<1x128x128xf32, #tpu.memory_space<vmem>>
    %dma_wait3A_119 = tpu.memref_squeeze %dma_wait3A_118 : memref<1x128x128xf32, #tpu.memory_space<vmem>> -> memref<128x128xf32, #tpu.memory_space<vmem>>
    tpu.wait_dma2 semaphore(%arg16 : memref<!tpu.dma_semaphore, #tpu.memory_space<semaphore_mem>>) src(%dma_wait3A_119 : memref<128x128xf32, #tpu.memory_space<vmem>>) dst(%dma_wait3A_115 : memref<128x128xf32, #tpu.memory_space<hbm>>)
    %dma_wait3A_120 = arith.constant 0 : i32
    %dma_wait3A_121 = arith.constant 0 : i32
    %dma_wait3A_122 = arith.constant 0 : i32
    %dma_wait3A_123 = tpu.memref_slice %arg11[%dma_wait3A_120, %dma_wait3A_121, %dma_wait3A_122] : memref<2x128x128xf32, #tpu.memory_space<vmem>> -> memref<1x128x128xf32, #tpu.memory_space<vmem>>
    %dma_wait3A_124 = tpu.memref_squeeze %dma_wait3A_123 : memref<1x128x128xf32, #tpu.memory_space<vmem>> -> memref<128x128xf32, #tpu.memory_space<vmem>>
    %dma_wait3A_125 = arith.constant 0 : i32
    %dma_wait3A_126 = tpu.memref_slice %arg7[%add3A_93, %dma_wait3A_125] : memref<32768x128xf32, #tpu.memory_space<hbm>> -> memref<128x128xf32, #tpu.memory_space<hbm>>
    %dma_wait3A_127 = arith.constant 0 : i32
    %dma_wait3A_128 = tpu.memref_slice %arg7[%add3A_93, %dma_wait3A_127] : memref<32768x128xf32, #tpu.memory_space<hbm>> -> memref<128x128xf32, #tpu.memory_space<hbm>>
    %dma_wait3A_129 = arith.constant 0 : i32
    %dma_wait3A_130 = arith.constant 0 : i32
    %dma_wait3A_131 = tpu.memref_slice %arg11[%dma_wait3A_120, %dma_wait3A_129, %dma_wait3A_130] : memref<2x128x128xf32, #tpu.memory_space<vmem>> -> memref<1x128x128xf32, #tpu.memory_space<vmem>>
    %dma_wait3A_132 = tpu.memref_squeeze %dma_wait3A_131 : memref<1x128x128xf32, #tpu.memory_space<vmem>> -> memref<128x128xf32, #tpu.memory_space<vmem>>
    tpu.wait_dma2 semaphore(%arg18 : memref<!tpu.dma_semaphore, #tpu.memory_space<semaphore_mem>>) src(%dma_wait3A_132 : memref<128x128xf32, #tpu.memory_space<vmem>>) dst(%dma_wait3A_128 : memref<128x128xf32, #tpu.memory_space<hbm>>)
    %dma_start3A_133 = arith.constant 2 : i32
    %dma_start3A_134 = arith.constant 0 : i32
    %dma_start3A_135 = arith.constant 0 : i32
    %dma_start3A_136 = arith.constant 0 : i32
    %dma_start3A_137 = tpu.memref_slice %arg10[%dma_start3A_134, %dma_start3A_135, %dma_start3A_136] : memref<2x128x128xf32, #tpu.memory_space<vmem>> -> memref<1x128x128xf32, #tpu.memory_space<vmem>>
    %dma_start3A_138 = tpu.memref_squeeze %dma_start3A_137 : memref<1x128x128xf32, #tpu.memory_space<vmem>> -> memref<128x128xf32, #tpu.memory_space<vmem>>
    %dma_start3A_139 = arith.constant 0 : i32
    %dma_start3A_140 = tpu.memref_slice %arg8[%dma_start3A_133, %dma_start3A_139] : memref<8x128xi32, #tpu.memory_space<vmem>> -> memref<1x128xi32, #tpu.memory_space<vmem>>
    %dma_start3A_141 = tpu.memref_squeeze %dma_start3A_140 : memref<1x128xi32, #tpu.memory_space<vmem>> -> memref<128xi32, #tpu.memory_space<vmem>>
    %dma_start3A_142 = arith.constant 0 : i32
    %dma_start3A_143 = arith.constant 0 : i32
    %dma_start3A_144 = tpu.memref_slice %arg2[%dma_start3A_142, %dma_start3A_143] : memref<802816x128xf32, #tpu.memory_space<hbm>> -> memref<802816x128xf32, #tpu.memory_space<hbm>>
    tpu.enqueue_indirect_dma source(%dma_start3A_144 : memref<802816x128xf32, #tpu.memory_space<hbm>>) target(%dma_start3A_138 : memref<128x128xf32, #tpu.memory_space<vmem>>) offsets(%dma_start3A_141 : memref<128xi32, #tpu.memory_space<vmem>>) semaphore(%arg12 : memref<!tpu.dma_semaphore, #tpu.memory_space<semaphore_mem>>)
    %dma_start3A_145 = arith.constant 2 : i32
    %dma_start3A_146 = arith.constant 0 : i32
    %dma_start3A_147 = arith.constant 0 : i32
    %dma_start3A_148 = arith.constant 0 : i32
    %dma_start3A_149 = tpu.memref_slice %arg11[%dma_start3A_146, %dma_start3A_147, %dma_start3A_148] : memref<2x128x128xf32, #tpu.memory_space<vmem>> -> memref<1x128x128xf32, #tpu.memory_space<vmem>>
    %dma_start3A_150 = tpu.memref_squeeze %dma_start3A_149 : memref<1x128x128xf32, #tpu.memory_space<vmem>> -> memref<128x128xf32, #tpu.memory_space<vmem>>
    %dma_start3A_151 = arith.constant 0 : i32
    %dma_start3A_152 = tpu.memref_slice %arg9[%dma_start3A_145, %dma_start3A_151] : memref<8x128xi32, #tpu.memory_space<vmem>> -> memref<1x128xi32, #tpu.memory_space<vmem>>
    %dma_start3A_153 = tpu.memref_squeeze %dma_start3A_152 : memref<1x128xi32, #tpu.memory_space<vmem>> -> memref<128xi32, #tpu.memory_space<vmem>>
    %dma_start3A_154 = arith.constant 0 : i32
    %dma_start3A_155 = arith.constant 0 : i32
    %dma_start3A_156 = tpu.memref_slice %arg3[%dma_start3A_154, %dma_start3A_155] : memref<784x128xf32, #tpu.memory_space<hbm>> -> memref<784x128xf32, #tpu.memory_space<hbm>>
    tpu.enqueue_indirect_dma source(%dma_start3A_156 : memref<784x128xf32, #tpu.memory_space<hbm>>) target(%dma_start3A_150 : memref<128x128xf32, #tpu.memory_space<vmem>>) offsets(%dma_start3A_153 : memref<128xi32, #tpu.memory_space<vmem>>) semaphore(%arg14 : memref<!tpu.dma_semaphore, #tpu.memory_space<semaphore_mem>>)
    %dma_wait3A_157 = arith.constant 1 : i32
    %dma_wait3A_158 = arith.constant 1 : i32
    %dma_wait3A_159 = arith.constant 0 : i32
    %dma_wait3A_160 = arith.constant 0 : i32
    %dma_wait3A_161 = tpu.memref_slice %arg10[%dma_wait3A_158, %dma_wait3A_159, %dma_wait3A_160] : memref<2x128x128xf32, #tpu.memory_space<vmem>> -> memref<1x128x128xf32, #tpu.memory_space<vmem>>
    %dma_wait3A_162 = tpu.memref_squeeze %dma_wait3A_161 : memref<1x128x128xf32, #tpu.memory_space<vmem>> -> memref<128x128xf32, #tpu.memory_space<vmem>>
    %dma_wait3A_163 = arith.constant 0 : i32
    %dma_wait3A_164 = tpu.memref_slice %arg8[%dma_wait3A_157, %dma_wait3A_163] : memref<8x128xi32, #tpu.memory_space<vmem>> -> memref<1x128xi32, #tpu.memory_space<vmem>>
    %dma_wait3A_165 = tpu.memref_squeeze %dma_wait3A_164 : memref<1x128xi32, #tpu.memory_space<vmem>> -> memref<128xi32, #tpu.memory_space<vmem>>
    %dma_wait3A_166 = arith.constant 0 : i32
    %dma_wait3A_167 = arith.constant 0 : i32
    %dma_wait3A_168 = tpu.memref_slice %arg2[%dma_wait3A_166, %dma_wait3A_167] : memref<802816x128xf32, #tpu.memory_space<hbm>> -> memref<802816x128xf32, #tpu.memory_space<hbm>>
    tpu.wait_indirect_dma semaphore(%arg13 : memref<!tpu.dma_semaphore, #tpu.memory_space<semaphore_mem>>) src(%dma_wait3A_168 : memref<802816x128xf32, #tpu.memory_space<hbm>>) dst(%dma_wait3A_162 : memref<128x128xf32, #tpu.memory_space<vmem>>)
    %dma_wait3A_169 = arith.constant 1 : i32
    %dma_wait3A_170 = arith.constant 1 : i32
    %dma_wait3A_171 = arith.constant 0 : i32
    %dma_wait3A_172 = arith.constant 0 : i32
    %dma_wait3A_173 = tpu.memref_slice %arg11[%dma_wait3A_170, %dma_wait3A_171, %dma_wait3A_172] : memref<2x128x128xf32, #tpu.memory_space<vmem>> -> memref<1x128x128xf32, #tpu.memory_space<vmem>>
    %dma_wait3A_174 = tpu.memref_squeeze %dma_wait3A_173 : memref<1x128x128xf32, #tpu.memory_space<vmem>> -> memref<128x128xf32, #tpu.memory_space<vmem>>
    %dma_wait3A_175 = arith.constant 0 : i32
    %dma_wait3A_176 = tpu.memref_slice %arg9[%dma_wait3A_169, %dma_wait3A_175] : memref<8x128xi32, #tpu.memory_space<vmem>> -> memref<1x128xi32, #tpu.memory_space<vmem>>
    %dma_wait3A_177 = tpu.memref_squeeze %dma_wait3A_176 : memref<1x128xi32, #tpu.memory_space<vmem>> -> memref<128xi32, #tpu.memory_space<vmem>>
    %dma_wait3A_178 = arith.constant 0 : i32
    %dma_wait3A_179 = arith.constant 0 : i32
    %dma_wait3A_180 = tpu.memref_slice %arg3[%dma_wait3A_178, %dma_wait3A_179] : memref<784x128xf32, #tpu.memory_space<hbm>> -> memref<784x128xf32, #tpu.memory_space<hbm>>
    tpu.wait_indirect_dma semaphore(%arg15 : memref<!tpu.dma_semaphore, #tpu.memory_space<semaphore_mem>>) src(%dma_wait3A_180 : memref<784x128xf32, #tpu.memory_space<hbm>>) dst(%dma_wait3A_174 : memref<128x128xf32, #tpu.memory_space<vmem>>)
    %add3A_181 = arith.constant 128 : i32
    %add3A_182 = arith.addi %mul3A_2, %add3A_181 : i32
    %dma_start3A_183 = arith.constant 1 : i32
    %dma_start3A_184 = arith.constant 0 : i32
    %dma_start3A_185 = arith.constant 0 : i32
    %dma_start3A_186 = tpu.memref_slice %arg10[%dma_start3A_183, %dma_start3A_184, %dma_start3A_185] : memref<2x128x128xf32, #tpu.memory_space<vmem>> -> memref<1x128x128xf32, #tpu.memory_space<vmem>>
    %dma_start3A_187 = tpu.memref_squeeze %dma_start3A_186 : memref<1x128x128xf32, #tpu.memory_space<vmem>> -> memref<128x128xf32, #tpu.memory_space<vmem>>
    %dma_start3A_188 = arith.constant 0 : i32
    %dma_start3A_189 = tpu.memref_slice %arg6[%add3A_182, %dma_start3A_188] : memref<32768x128xf32, #tpu.memory_space<hbm>> -> memref<128x128xf32, #tpu.memory_space<hbm>>
    %dma_start3A_190 = arith.constant 0 : i32
    %dma_start3A_191 = tpu.memref_slice %arg6[%add3A_182, %dma_start3A_190] : memref<32768x128xf32, #tpu.memory_space<hbm>> -> memref<128x128xf32, #tpu.memory_space<hbm>>
    %dma_start3A_192 = arith.constant 0 : i32
    %dma_start3A_193 = arith.constant 0 : i32
    %dma_start3A_194 = tpu.memref_slice %arg10[%dma_start3A_183, %dma_start3A_192, %dma_start3A_193] : memref<2x128x128xf32, #tpu.memory_space<vmem>> -> memref<1x128x128xf32, #tpu.memory_space<vmem>>
    %dma_start3A_195 = tpu.memref_squeeze %dma_start3A_194 : memref<1x128x128xf32, #tpu.memory_space<vmem>> -> memref<128x128xf32, #tpu.memory_space<vmem>>
    tpu.enqueue_dma source(%dma_start3A_195 : memref<128x128xf32, #tpu.memory_space<vmem>>) target(%dma_start3A_191 : memref<128x128xf32, #tpu.memory_space<hbm>>) target_semaphore(%arg17 : memref<!tpu.dma_semaphore, #tpu.memory_space<semaphore_mem>>)
    %add3A_196 = arith.constant 128 : i32
    %add3A_197 = arith.addi %mul3A_2, %add3A_196 : i32
    %dma_start3A_198 = arith.constant 1 : i32
    %dma_start3A_199 = arith.constant 0 : i32
    %dma_start3A_200 = arith.constant 0 : i32
    %dma_start3A_201 = tpu.memref_slice %arg11[%dma_start3A_198, %dma_start3A_199, %dma_start3A_200] : memref<2x128x128xf32, #tpu.memory_space<vmem>> -> memref<1x128x128xf32, #tpu.memory_space<vmem>>
    %dma_start3A_202 = tpu.memref_squeeze %dma_start3A_201 : memref<1x128x128xf32, #tpu.memory_space<vmem>> -> memref<128x128xf32, #tpu.memory_space<vmem>>
    %dma_start3A_203 = arith.constant 0 : i32
    %dma_start3A_204 = tpu.memref_slice %arg7[%add3A_197, %dma_start3A_203] : memref<32768x128xf32, #tpu.memory_space<hbm>> -> memref<128x128xf32, #tpu.memory_space<hbm>>
    %dma_start3A_205 = arith.constant 0 : i32
    %dma_start3A_206 = tpu.memref_slice %arg7[%add3A_197, %dma_start3A_205] : memref<32768x128xf32, #tpu.memory_space<hbm>> -> memref<128x128xf32, #tpu.memory_space<hbm>>
    %dma_start3A_207 = arith.constant 0 : i32
    %dma_start3A_208 = arith.constant 0 : i32
    %dma_start3A_209 = tpu.memref_slice %arg11[%dma_start3A_198, %dma_start3A_207, %dma_start3A_208] : memref<2x128x128xf32, #tpu.memory_space<vmem>> -> memref<1x128x128xf32, #tpu.memory_space<vmem>>
    %dma_start3A_210 = tpu.memref_squeeze %dma_start3A_209 : memref<1x128x128xf32, #tpu.memory_space<vmem>> -> memref<128x128xf32, #tpu.memory_space<vmem>>
    tpu.enqueue_dma source(%dma_start3A_210 : memref<128x128xf32, #tpu.memory_space<vmem>>) target(%dma_start3A_206 : memref<128x128xf32, #tpu.memory_space<hbm>>) target_semaphore(%arg19 : memref<!tpu.dma_semaphore, #tpu.memory_space<semaphore_mem>>)
    %dma_wait3A_211 = arith.constant 1 : i32
    %dma_wait3A_212 = arith.constant 0 : i32
    %dma_wait3A_213 = arith.constant 0 : i32
    %dma_wait3A_214 = tpu.memref_slice %arg10[%dma_wait3A_211, %dma_wait3A_212, %dma_wait3A_213] : memref<2x128x128xf32, #tpu.memory_space<vmem>> -> memref<1x128x128xf32, #tpu.memory_space<vmem>>
    %dma_wait3A_215 = tpu.memref_squeeze %dma_wait3A_214 : memref<1x128x128xf32, #tpu.memory_space<vmem>> -> memref<128x128xf32, #tpu.memory_space<vmem>>
    %dma_wait3A_216 = arith.constant 0 : i32
    %dma_wait3A_217 = tpu.memref_slice %arg6[%add3A_182, %dma_wait3A_216] : memref<32768x128xf32, #tpu.memory_space<hbm>> -> memref<128x128xf32, #tpu.memory_space<hbm>>
    %dma_wait3A_218 = arith.constant 0 : i32
    %dma_wait3A_219 = tpu.memref_slice %arg6[%add3A_182, %dma_wait3A_218] : memref<32768x128xf32, #tpu.memory_space<hbm>> -> memref<128x128xf32, #tpu.memory_space<hbm>>
    %dma_wait3A_220 = arith.constant 0 : i32
    %dma_wait3A_221 = arith.constant 0 : i32
    %dma_wait3A_222 = tpu.memref_slice %arg10[%dma_wait3A_211, %dma_wait3A_220, %dma_wait3A_221] : memref<2x128x128xf32, #tpu.memory_space<vmem>> -> memref<1x128x128xf32, #tpu.memory_space<vmem>>
    %dma_wait3A_223 = tpu.memref_squeeze %dma_wait3A_222 : memref<1x128x128xf32, #tpu.memory_space<vmem>> -> memref<128x128xf32, #tpu.memory_space<vmem>>
    tpu.wait_dma2 semaphore(%arg17 : memref<!tpu.dma_semaphore, #tpu.memory_space<semaphore_mem>>) src(%dma_wait3A_223 : memref<128x128xf32, #tpu.memory_space<vmem>>) dst(%dma_wait3A_219 : memref<128x128xf32, #tpu.memory_space<hbm>>)
    %dma_wait3A_224 = arith.constant 1 : i32
    %dma_wait3A_225 = arith.constant 0 : i32
    %dma_wait3A_226 = arith.constant 0 : i32
    %dma_wait3A_227 = tpu.memref_slice %arg11[%dma_wait3A_224, %dma_wait3A_225, %dma_wait3A_226] : memref<2x128x128xf32, #tpu.memory_space<vmem>> -> memref<1x128x128xf32, #tpu.memory_space<vmem>>
    %dma_wait3A_228 = tpu.memref_squeeze %dma_wait3A_227 : memref<1x128x128xf32, #tpu.memory_space<vmem>> -> memref<128x128xf32, #tpu.memory_space<vmem>>
    %dma_wait3A_229 = arith.constant 0 : i32
    %dma_wait3A_230 = tpu.memref_slice %arg7[%add3A_197, %dma_wait3A_229] : memref<32768x128xf32, #tpu.memory_space<hbm>> -> memref<128x128xf32, #tpu.memory_space<hbm>>
    %dma_wait3A_231 = arith.constant 0 : i32
    %dma_wait3A_232 = tpu.memref_slice %arg7[%add3A_197, %dma_wait3A_231] : memref<32768x128xf32, #tpu.memory_space<hbm>> -> memref<128x128xf32, #tpu.memory_space<hbm>>
    %dma_wait3A_233 = arith.constant 0 : i32
    %dma_wait3A_234 = arith.constant 0 : i32
    %dma_wait3A_235 = tpu.memref_slice %arg11[%dma_wait3A_224, %dma_wait3A_233, %dma_wait3A_234] : memref<2x128x128xf32, #tpu.memory_space<vmem>> -> memref<1x128x128xf32, #tpu.memory_space<vmem>>
    %dma_wait3A_236 = tpu.memref_squeeze %dma_wait3A_235 : memref<1x128x128xf32, #tpu.memory_space<vmem>> -> memref<128x128xf32, #tpu.memory_space<vmem>>
    tpu.wait_dma2 semaphore(%arg19 : memref<!tpu.dma_semaphore, #tpu.memory_space<semaphore_mem>>) src(%dma_wait3A_236 : memref<128x128xf32, #tpu.memory_space<vmem>>) dst(%dma_wait3A_232 : memref<128x128xf32, #tpu.memory_space<hbm>>)
    %dma_start3A_237 = arith.constant 3 : i32
    %dma_start3A_238 = arith.constant 1 : i32
    %dma_start3A_239 = arith.constant 0 : i32
    %dma_start3A_240 = arith.constant 0 : i32
    %dma_start3A_241 = tpu.memref_slice %arg10[%dma_start3A_238, %dma_start3A_239, %dma_start3A_240] : memref<2x128x128xf32, #tpu.memory_space<vmem>> -> memref<1x128x128xf32, #tpu.memory_space<vmem>>
    %dma_start3A_242 = tpu.memref_squeeze %dma_start3A_241 : memref<1x128x128xf32, #tpu.memory_space<vmem>> -> memref<128x128xf32, #tpu.memory_space<vmem>>
    %dma_start3A_243 = arith.constant 0 : i32
    %dma_start3A_244 = tpu.memref_slice %arg8[%dma_start3A_237, %dma_start3A_243] : memref<8x128xi32, #tpu.memory_space<vmem>> -> memref<1x128xi32, #tpu.memory_space<vmem>>
    %dma_start3A_245 = tpu.memref_squeeze %dma_start3A_244 : memref<1x128xi32, #tpu.memory_space<vmem>> -> memref<128xi32, #tpu.memory_space<vmem>>
    %dma_start3A_246 = arith.constant 0 : i32
    %dma_start3A_247 = arith.constant 0 : i32
    %dma_start3A_248 = tpu.memref_slice %arg2[%dma_start3A_246, %dma_start3A_247] : memref<802816x128xf32, #tpu.memory_space<hbm>> -> memref<802816x128xf32, #tpu.memory_space<hbm>>
    tpu.enqueue_indirect_dma source(%dma_start3A_248 : memref<802816x128xf32, #tpu.memory_space<hbm>>) target(%dma_start3A_242 : memref<128x128xf32, #tpu.memory_space<vmem>>) offsets(%dma_start3A_245 : memref<128xi32, #tpu.memory_space<vmem>>) semaphore(%arg13 : memref<!tpu.dma_semaphore, #tpu.memory_space<semaphore_mem>>)
    %dma_start3A_249 = arith.constant 3 : i32
    %dma_start3A_250 = arith.constant 1 : i32
    %dma_start3A_251 = arith.constant 0 : i32
    %dma_start3A_252 = arith.constant 0 : i32
    %dma_start3A_253 = tpu.memref_slice %arg11[%dma_start3A_250, %dma_start3A_251, %dma_start3A_252] : memref<2x128x128xf32, #tpu.memory_space<vmem>> -> memref<1x128x128xf32, #tpu.memory_space<vmem>>
    %dma_start3A_254 = tpu.memref_squeeze %dma_start3A_253 : memref<1x128x128xf32, #tpu.memory_space<vmem>> -> memref<128x128xf32, #tpu.memory_space<vmem>>
    %dma_start3A_255 = arith.constant 0 : i32
    %dma_start3A_256 = tpu.memref_slice %arg9[%dma_start3A_249, %dma_start3A_255] : memref<8x128xi32, #tpu.memory_space<vmem>> -> memref<1x128xi32, #tpu.memory_space<vmem>>
    %dma_start3A_257 = tpu.memref_squeeze %dma_start3A_256 : memref<1x128xi32, #tpu.memory_space<vmem>> -> memref<128xi32, #tpu.memory_space<vmem>>
    %dma_start3A_258 = arith.constant 0 : i32
    %dma_start3A_259 = arith.constant 0 : i32
    %dma_start3A_260 = tpu.memref_slice %arg3[%dma_start3A_258, %dma_start3A_259] : memref<784x128xf32, #tpu.memory_space<hbm>> -> memref<784x128xf32, #tpu.memory_space<hbm>>
    tpu.enqueue_indirect_dma source(%dma_start3A_260 : memref<784x128xf32, #tpu.memory_space<hbm>>) target(%dma_start3A_254 : memref<128x128xf32, #tpu.memory_space<vmem>>) offsets(%dma_start3A_257 : memref<128xi32, #tpu.memory_space<vmem>>) semaphore(%arg15 : memref<!tpu.dma_semaphore, #tpu.memory_space<semaphore_mem>>)
    %dma_wait3A_261 = arith.constant 2 : i32
    %dma_wait3A_262 = arith.constant 0 : i32
    %dma_wait3A_263 = arith.constant 0 : i32
    %dma_wait3A_264 = arith.constant 0 : i32
    %dma_wait3A_265 = tpu.memref_slice %arg10[%dma_wait3A_262, %dma_wait3A_263, %dma_wait3A_264] : memref<2x128x128xf32, #tpu.memory_space<vmem>> -> memref<1x128x128xf32, #tpu.memory_space<vmem>>
    %dma_wait3A_266 = tpu.memref_squeeze %dma_wait3A_265 : memref<1x128x128xf32, #tpu.memory_space<vmem>> -> memref<128x128xf32, #tpu.memory_space<vmem>>
    %dma_wait3A_267 = arith.constant 0 : i32
    %dma_wait3A_268 = tpu.memref_slice %arg8[%dma_wait3A_261, %dma_wait3A_267] : memref<8x128xi32, #tpu.memory_space<vmem>> -> memref<1x128xi32, #tpu.memory_space<vmem>>
    %dma_wait3A_269 = tpu.memref_squeeze %dma_wait3A_268 : memref<1x128xi32, #tpu.memory_space<vmem>> -> memref<128xi32, #tpu.memory_space<vmem>>
    %dma_wait3A_270 = arith.constant 0 : i32
    %dma_wait3A_271 = arith.constant 0 : i32
    %dma_wait3A_272 = tpu.memref_slice %arg2[%dma_wait3A_270, %dma_wait3A_271] : memref<802816x128xf32, #tpu.memory_space<hbm>> -> memref<802816x128xf32, #tpu.memory_space<hbm>>
    tpu.wait_indirect_dma semaphore(%arg12 : memref<!tpu.dma_semaphore, #tpu.memory_space<semaphore_mem>>) src(%dma_wait3A_272 : memref<802816x128xf32, #tpu.memory_space<hbm>>) dst(%dma_wait3A_266 : memref<128x128xf32, #tpu.memory_space<vmem>>)
    %dma_wait3A_273 = arith.constant 2 : i32
    %dma_wait3A_274 = arith.constant 0 : i32
    %dma_wait3A_275 = arith.constant 0 : i32
    %dma_wait3A_276 = arith.constant 0 : i32
    %dma_wait3A_277 = tpu.memref_slice %arg11[%dma_wait3A_274, %dma_wait3A_275, %dma_wait3A_276] : memref<2x128x128xf32, #tpu.memory_space<vmem>> -> memref<1x128x128xf32, #tpu.memory_space<vmem>>
    %dma_wait3A_278 = tpu.memref_squeeze %dma_wait3A_277 : memref<1x128x128xf32, #tpu.memory_space<vmem>> -> memref<128x128xf32, #tpu.memory_space<vmem>>
    %dma_wait3A_279 = arith.constant 0 : i32
    %dma_wait3A_280 = tpu.memref_slice %arg9[%dma_wait3A_273, %dma_wait3A_279] : memref<8x128xi32, #tpu.memory_space<vmem>> -> memref<1x128xi32, #tpu.memory_space<vmem>>
    %dma_wait3A_281 = tpu.memref_squeeze %dma_wait3A_280 : memref<1x128xi32, #tpu.memory_space<vmem>> -> memref<128xi32, #tpu.memory_space<vmem>>
    %dma_wait3A_282 = arith.constant 0 : i32
    %dma_wait3A_283 = arith.constant 0 : i32
    %dma_wait3A_284 = tpu.memref_slice %arg3[%dma_wait3A_282, %dma_wait3A_283] : memref<784x128xf32, #tpu.memory_space<hbm>> -> memref<784x128xf32, #tpu.memory_space<hbm>>
    tpu.wait_indirect_dma semaphore(%arg14 : memref<!tpu.dma_semaphore, #tpu.memory_space<semaphore_mem>>) src(%dma_wait3A_284 : memref<784x128xf32, #tpu.memory_space<hbm>>) dst(%dma_wait3A_278 : memref<128x128xf32, #tpu.memory_space<vmem>>)
    %add3A_285 = arith.constant 256 : i32
    %add3A_286 = arith.addi %mul3A_2, %add3A_285 : i32
    %dma_start3A_287 = arith.constant 0 : i32
    %dma_start3A_288 = arith.constant 0 : i32
    %dma_start3A_289 = arith.constant 0 : i32
    %dma_start3A_290 = tpu.memref_slice %arg10[%dma_start3A_287, %dma_start3A_288, %dma_start3A_289] : memref<2x128x128xf32, #tpu.memory_space<vmem>> -> memref<1x128x128xf32, #tpu.memory_space<vmem>>
    %dma_start3A_291 = tpu.memref_squeeze %dma_start3A_290 : memref<1x128x128xf32, #tpu.memory_space<vmem>> -> memref<128x128xf32, #tpu.memory_space<vmem>>
    %dma_start3A_292 = arith.constant 0 : i32
    %dma_start3A_293 = tpu.memref_slice %arg6[%add3A_286, %dma_start3A_292] : memref<32768x128xf32, #tpu.memory_space<hbm>> -> memref<128x128xf32, #tpu.memory_space<hbm>>
    %dma_start3A_294 = arith.constant 0 : i32
    %dma_start3A_295 = tpu.memref_slice %arg6[%add3A_286, %dma_start3A_294] : memref<32768x128xf32, #tpu.memory_space<hbm>> -> memref<128x128xf32, #tpu.memory_space<hbm>>
    %dma_start3A_296 = arith.constant 0 : i32
    %dma_start3A_297 = arith.constant 0 : i32
    %dma_start3A_298 = tpu.memref_slice %arg10[%dma_start3A_287, %dma_start3A_296, %dma_start3A_297] : memref<2x128x128xf32, #tpu.memory_space<vmem>> -> memref<1x128x128xf32, #tpu.memory_space<vmem>>
    %dma_start3A_299 = tpu.memref_squeeze %dma_start3A_298 : memref<1x128x128xf32, #tpu.memory_space<vmem>> -> memref<128x128xf32, #tpu.memory_space<vmem>>
    tpu.enqueue_dma source(%dma_start3A_299 : memref<128x128xf32, #tpu.memory_space<vmem>>) target(%dma_start3A_295 : memref<128x128xf32, #tpu.memory_space<hbm>>) target_semaphore(%arg16 : memref<!tpu.dma_semaphore, #tpu.memory_space<semaphore_mem>>)
    %add3A_300 = arith.constant 256 : i32
    %add3A_301 = arith.addi %mul3A_2, %add3A_300 : i32
    %dma_start3A_302 = arith.constant 0 : i32
    %dma_start3A_303 = arith.constant 0 : i32
    %dma_start3A_304 = arith.constant 0 : i32
    %dma_start3A_305 = tpu.memref_slice %arg11[%dma_start3A_302, %dma_start3A_303, %dma_start3A_304] : memref<2x128x128xf32, #tpu.memory_space<vmem>> -> memref<1x128x128xf32, #tpu.memory_space<vmem>>
    %dma_start3A_306 = tpu.memref_squeeze %dma_start3A_305 : memref<1x128x128xf32, #tpu.memory_space<vmem>> -> memref<128x128xf32, #tpu.memory_space<vmem>>
    %dma_start3A_307 = arith.constant 0 : i32
    %dma_start3A_308 = tpu.memref_slice %arg7[%add3A_301, %dma_start3A_307] : memref<32768x128xf32, #tpu.memory_space<hbm>> -> memref<128x128xf32, #tpu.memory_space<hbm>>
    %dma_start3A_309 = arith.constant 0 : i32
    %dma_start3A_310 = tpu.memref_slice %arg7[%add3A_301, %dma_start3A_309] : memref<32768x128xf32, #tpu.memory_space<hbm>> -> memref<128x128xf32, #tpu.memory_space<hbm>>
    %dma_start3A_311 = arith.constant 0 : i32
    %dma_start3A_312 = arith.constant 0 : i32
    %dma_start3A_313 = tpu.memref_slice %arg11[%dma_start3A_302, %dma_start3A_311, %dma_start3A_312] : memref<2x128x128xf32, #tpu.memory_space<vmem>> -> memref<1x128x128xf32, #tpu.memory_space<vmem>>
    %dma_start3A_314 = tpu.memref_squeeze %dma_start3A_313 : memref<1x128x128xf32, #tpu.memory_space<vmem>> -> memref<128x128xf32, #tpu.memory_space<vmem>>
    tpu.enqueue_dma source(%dma_start3A_314 : memref<128x128xf32, #tpu.memory_space<vmem>>) target(%dma_start3A_310 : memref<128x128xf32, #tpu.memory_space<hbm>>) target_semaphore(%arg18 : memref<!tpu.dma_semaphore, #tpu.memory_space<semaphore_mem>>)
    %dma_wait3A_315 = arith.constant 0 : i32
    %dma_wait3A_316 = arith.constant 0 : i32
    %dma_wait3A_317 = arith.constant 0 : i32
    %dma_wait3A_318 = tpu.memref_slice %arg10[%dma_wait3A_315, %dma_wait3A_316, %dma_wait3A_317] : memref<2x128x128xf32, #tpu.memory_space<vmem>> -> memref<1x128x128xf32, #tpu.memory_space<vmem>>
    %dma_wait3A_319 = tpu.memref_squeeze %dma_wait3A_318 : memref<1x128x128xf32, #tpu.memory_space<vmem>> -> memref<128x128xf32, #tpu.memory_space<vmem>>
    %dma_wait3A_320 = arith.constant 0 : i32
    %dma_wait3A_321 = tpu.memref_slice %arg6[%add3A_286, %dma_wait3A_320] : memref<32768x128xf32, #tpu.memory_space<hbm>> -> memref<128x128xf32, #tpu.memory_space<hbm>>
    %dma_wait3A_322 = arith.constant 0 : i32
    %dma_wait3A_323 = tpu.memref_slice %arg6[%add3A_286, %dma_wait3A_322] : memref<32768x128xf32, #tpu.memory_space<hbm>> -> memref<128x128xf32, #tpu.memory_space<hbm>>
    %dma_wait3A_324 = arith.constant 0 : i32
    %dma_wait3A_325 = arith.constant 0 : i32
    %dma_wait3A_326 = tpu.memref_slice %arg10[%dma_wait3A_315, %dma_wait3A_324, %dma_wait3A_325] : memref<2x128x128xf32, #tpu.memory_space<vmem>> -> memref<1x128x128xf32, #tpu.memory_space<vmem>>
    %dma_wait3A_327 = tpu.memref_squeeze %dma_wait3A_326 : memref<1x128x128xf32, #tpu.memory_space<vmem>> -> memref<128x128xf32, #tpu.memory_space<vmem>>
    tpu.wait_dma2 semaphore(%arg16 : memref<!tpu.dma_semaphore, #tpu.memory_space<semaphore_mem>>) src(%dma_wait3A_327 : memref<128x128xf32, #tpu.memory_space<vmem>>) dst(%dma_wait3A_323 : memref<128x128xf32, #tpu.memory_space<hbm>>)
    %dma_wait3A_328 = arith.constant 0 : i32
    %dma_wait3A_329 = arith.constant 0 : i32
    %dma_wait3A_330 = arith.constant 0 : i32
    %dma_wait3A_331 = tpu.memref_slice %arg11[%dma_wait3A_328, %dma_wait3A_329, %dma_wait3A_330] : memref<2x128x128xf32, #tpu.memory_space<vmem>> -> memref<1x128x128xf32, #tpu.memory_space<vmem>>
    %dma_wait3A_332 = tpu.memref_squeeze %dma_wait3A_331 : memref<1x128x128xf32, #tpu.memory_space<vmem>> -> memref<128x128xf32, #tpu.memory_space<vmem>>
    %dma_wait3A_333 = arith.constant 0 : i32
    %dma_wait3A_334 = tpu.memref_slice %arg7[%add3A_301, %dma_wait3A_333] : memref<32768x128xf32, #tpu.memory_space<hbm>> -> memref<128x128xf32, #tpu.memory_space<hbm>>
    %dma_wait3A_335 = arith.constant 0 : i32
    %dma_wait3A_336 = tpu.memref_slice %arg7[%add3A_301, %dma_wait3A_335] : memref<32768x128xf32, #tpu.memory_space<hbm>> -> memref<128x128xf32, #tpu.memory_space<hbm>>
    %dma_wait3A_337 = arith.constant 0 : i32
    %dma_wait3A_338 = arith.constant 0 : i32
    %dma_wait3A_339 = tpu.memref_slice %arg11[%dma_wait3A_328, %dma_wait3A_337, %dma_wait3A_338] : memref<2x128x128xf32, #tpu.memory_space<vmem>> -> memref<1x128x128xf32, #tpu.memory_space<vmem>>
    %dma_wait3A_340 = tpu.memref_squeeze %dma_wait3A_339 : memref<1x128x128xf32, #tpu.memory_space<vmem>> -> memref<128x128xf32, #tpu.memory_space<vmem>>
    tpu.wait_dma2 semaphore(%arg18 : memref<!tpu.dma_semaphore, #tpu.memory_space<semaphore_mem>>) src(%dma_wait3A_340 : memref<128x128xf32, #tpu.memory_space<vmem>>) dst(%dma_wait3A_336 : memref<128x128xf32, #tpu.memory_space<hbm>>)
    %dma_start3A_341 = arith.constant 4 : i32
    %dma_start3A_342 = arith.constant 0 : i32
    %dma_start3A_343 = arith.constant 0 : i32
    %dma_start3A_344 = arith.constant 0 : i32
    %dma_start3A_345 = tpu.memref_slice %arg10[%dma_start3A_342, %dma_start3A_343, %dma_start3A_344] : memref<2x128x128xf32, #tpu.memory_space<vmem>> -> memref<1x128x128xf32, #tpu.memory_space<vmem>>
    %dma_start3A_346 = tpu.memref_squeeze %dma_start3A_345 : memref<1x128x128xf32, #tpu.memory_space<vmem>> -> memref<128x128xf32, #tpu.memory_space<vmem>>
    %dma_start3A_347 = arith.constant 0 : i32
    %dma_start3A_348 = tpu.memref_slice %arg8[%dma_start3A_341, %dma_start3A_347] : memref<8x128xi32, #tpu.memory_space<vmem>> -> memref<1x128xi32, #tpu.memory_space<vmem>>
    %dma_start3A_349 = tpu.memref_squeeze %dma_start3A_348 : memref<1x128xi32, #tpu.memory_space<vmem>> -> memref<128xi32, #tpu.memory_space<vmem>>
    %dma_start3A_350 = arith.constant 0 : i32
    %dma_start3A_351 = arith.constant 0 : i32
    %dma_start3A_352 = tpu.memref_slice %arg2[%dma_start3A_350, %dma_start3A_351] : memref<802816x128xf32, #tpu.memory_space<hbm>> -> memref<802816x128xf32, #tpu.memory_space<hbm>>
    tpu.enqueue_indirect_dma source(%dma_start3A_352 : memref<802816x128xf32, #tpu.memory_space<hbm>>) target(%dma_start3A_346 : memref<128x128xf32, #tpu.memory_space<vmem>>) offsets(%dma_start3A_349 : memref<128xi32, #tpu.memory_space<vmem>>) semaphore(%arg12 : memref<!tpu.dma_semaphore, #tpu.memory_space<semaphore_mem>>)
    %dma_start3A_353 = arith.constant 4 : i32
    %dma_start3A_354 = arith.constant 0 : i32
    %dma_start3A_355 = arith.constant 0 : i32
    %dma_start3A_356 = arith.constant 0 : i32
    %dma_start3A_357 = tpu.memref_slice %arg11[%dma_start3A_354, %dma_start3A_355, %dma_start3A_356] : memref<2x128x128xf32, #tpu.memory_space<vmem>> -> memref<1x128x128xf32, #tpu.memory_space<vmem>>
    %dma_start3A_358 = tpu.memref_squeeze %dma_start3A_357 : memref<1x128x128xf32, #tpu.memory_space<vmem>> -> memref<128x128xf32, #tpu.memory_space<vmem>>
    %dma_start3A_359 = arith.constant 0 : i32
    %dma_start3A_360 = tpu.memref_slice %arg9[%dma_start3A_353, %dma_start3A_359] : memref<8x128xi32, #tpu.memory_space<vmem>> -> memref<1x128xi32, #tpu.memory_space<vmem>>
    %dma_start3A_361 = tpu.memref_squeeze %dma_start3A_360 : memref<1x128xi32, #tpu.memory_space<vmem>> -> memref<128xi32, #tpu.memory_space<vmem>>
    %dma_start3A_362 = arith.constant 0 : i32
    %dma_start3A_363 = arith.constant 0 : i32
    %dma_start3A_364 = tpu.memref_slice %arg3[%dma_start3A_362, %dma_start3A_363] : memref<784x128xf32, #tpu.memory_space<hbm>> -> memref<784x128xf32, #tpu.memory_space<hbm>>
    tpu.enqueue_indirect_dma source(%dma_start3A_364 : memref<784x128xf32, #tpu.memory_space<hbm>>) target(%dma_start3A_358 : memref<128x128xf32, #tpu.memory_space<vmem>>) offsets(%dma_start3A_361 : memref<128xi32, #tpu.memory_space<vmem>>) semaphore(%arg14 : memref<!tpu.dma_semaphore, #tpu.memory_space<semaphore_mem>>)
    %dma_wait3A_365 = arith.constant 3 : i32
    %dma_wait3A_366 = arith.constant 1 : i32
    %dma_wait3A_367 = arith.constant 0 : i32
    %dma_wait3A_368 = arith.constant 0 : i32
    %dma_wait3A_369 = tpu.memref_slice %arg10[%dma_wait3A_366, %dma_wait3A_367, %dma_wait3A_368] : memref<2x128x128xf32, #tpu.memory_space<vmem>> -> memref<1x128x128xf32, #tpu.memory_space<vmem>>
    %dma_wait3A_370 = tpu.memref_squeeze %dma_wait3A_369 : memref<1x128x128xf32, #tpu.memory_space<vmem>> -> memref<128x128xf32, #tpu.memory_space<vmem>>
    %dma_wait3A_371 = arith.constant 0 : i32
    %dma_wait3A_372 = tpu.memref_slice %arg8[%dma_wait3A_365, %dma_wait3A_371] : memref<8x128xi32, #tpu.memory_space<vmem>> -> memref<1x128xi32, #tpu.memory_space<vmem>>
    %dma_wait3A_373 = tpu.memref_squeeze %dma_wait3A_372 : memref<1x128xi32, #tpu.memory_space<vmem>> -> memref<128xi32, #tpu.memory_space<vmem>>
    %dma_wait3A_374 = arith.constant 0 : i32
    %dma_wait3A_375 = arith.constant 0 : i32
    %dma_wait3A_376 = tpu.memref_slice %arg2[%dma_wait3A_374, %dma_wait3A_375] : memref<802816x128xf32, #tpu.memory_space<hbm>> -> memref<802816x128xf32, #tpu.memory_space<hbm>>
    tpu.wait_indirect_dma semaphore(%arg13 : memref<!tpu.dma_semaphore, #tpu.memory_space<semaphore_mem>>) src(%dma_wait3A_376 : memref<802816x128xf32, #tpu.memory_space<hbm>>) dst(%dma_wait3A_370 : memref<128x128xf32, #tpu.memory_space<vmem>>)
    %dma_wait3A_377 = arith.constant 3 : i32
    %dma_wait3A_378 = arith.constant 1 : i32
    %dma_wait3A_379 = arith.constant 0 : i32
    %dma_wait3A_380 = arith.constant 0 : i32
    %dma_wait3A_381 = tpu.memref_slice %arg11[%dma_wait3A_378, %dma_wait3A_379, %dma_wait3A_380] : memref<2x128x128xf32, #tpu.memory_space<vmem>> -> memref<1x128x128xf32, #tpu.memory_space<vmem>>
    %dma_wait3A_382 = tpu.memref_squeeze %dma_wait3A_381 : memref<1x128x128xf32, #tpu.memory_space<vmem>> -> memref<128x128xf32, #tpu.memory_space<vmem>>
    %dma_wait3A_383 = arith.constant 0 : i32
    %dma_wait3A_384 = tpu.memref_slice %arg9[%dma_wait3A_377, %dma_wait3A_383] : memref<8x128xi32, #tpu.memory_space<vmem>> -> memref<1x128xi32, #tpu.memory_space<vmem>>
    %dma_wait3A_385 = tpu.memref_squeeze %dma_wait3A_384 : memref<1x128xi32, #tpu.memory_space<vmem>> -> memref<128xi32, #tpu.memory_space<vmem>>
    %dma_wait3A_386 = arith.constant 0 : i32
    %dma_wait3A_387 = arith.constant 0 : i32
    %dma_wait3A_388 = tpu.memref_slice %arg3[%dma_wait3A_386, %dma_wait3A_387] : memref<784x128xf32, #tpu.memory_space<hbm>> -> memref<784x128xf32, #tpu.memory_space<hbm>>
    tpu.wait_indirect_dma semaphore(%arg15 : memref<!tpu.dma_semaphore, #tpu.memory_space<semaphore_mem>>) src(%dma_wait3A_388 : memref<784x128xf32, #tpu.memory_space<hbm>>) dst(%dma_wait3A_382 : memref<128x128xf32, #tpu.memory_space<vmem>>)
    %add3A_389 = arith.constant 384 : i32
    %add3A_390 = arith.addi %mul3A_2, %add3A_389 : i32
    %dma_start3A_391 = arith.constant 1 : i32
    %dma_start3A_392 = arith.constant 0 : i32
    %dma_start3A_393 = arith.constant 0 : i32
    %dma_start3A_394 = tpu.memref_slice %arg10[%dma_start3A_391, %dma_start3A_392, %dma_start3A_393] : memref<2x128x128xf32, #tpu.memory_space<vmem>> -> memref<1x128x128xf32, #tpu.memory_space<vmem>>
    %dma_start3A_395 = tpu.memref_squeeze %dma_start3A_394 : memref<1x128x128xf32, #tpu.memory_space<vmem>> -> memref<128x128xf32, #tpu.memory_space<vmem>>
    %dma_start3A_396 = arith.constant 0 : i32
    %dma_start3A_397 = tpu.memref_slice %arg6[%add3A_390, %dma_start3A_396] : memref<32768x128xf32, #tpu.memory_space<hbm>> -> memref<128x128xf32, #tpu.memory_space<hbm>>
    %dma_start3A_398 = arith.constant 0 : i32
    %dma_start3A_399 = tpu.memref_slice %arg6[%add3A_390, %dma_start3A_398] : memref<32768x128xf32, #tpu.memory_space<hbm>> -> memref<128x128xf32, #tpu.memory_space<hbm>>
    %dma_start3A_400 = arith.constant 0 : i32
    %dma_start3A_401 = arith.constant 0 : i32
    %dma_start3A_402 = tpu.memref_slice %arg10[%dma_start3A_391, %dma_start3A_400, %dma_start3A_401] : memref<2x128x128xf32, #tpu.memory_space<vmem>> -> memref<1x128x128xf32, #tpu.memory_space<vmem>>
    %dma_start3A_403 = tpu.memref_squeeze %dma_start3A_402 : memref<1x128x128xf32, #tpu.memory_space<vmem>> -> memref<128x128xf32, #tpu.memory_space<vmem>>
    tpu.enqueue_dma source(%dma_start3A_403 : memref<128x128xf32, #tpu.memory_space<vmem>>) target(%dma_start3A_399 : memref<128x128xf32, #tpu.memory_space<hbm>>) target_semaphore(%arg17 : memref<!tpu.dma_semaphore, #tpu.memory_space<semaphore_mem>>)
    %add3A_404 = arith.constant 384 : i32
    %add3A_405 = arith.addi %mul3A_2, %add3A_404 : i32
    %dma_start3A_406 = arith.constant 1 : i32
    %dma_start3A_407 = arith.constant 0 : i32
    %dma_start3A_408 = arith.constant 0 : i32
    %dma_start3A_409 = tpu.memref_slice %arg11[%dma_start3A_406, %dma_start3A_407, %dma_start3A_408] : memref<2x128x128xf32, #tpu.memory_space<vmem>> -> memref<1x128x128xf32, #tpu.memory_space<vmem>>
    %dma_start3A_410 = tpu.memref_squeeze %dma_start3A_409 : memref<1x128x128xf32, #tpu.memory_space<vmem>> -> memref<128x128xf32, #tpu.memory_space<vmem>>
    %dma_start3A_411 = arith.constant 0 : i32
    %dma_start3A_412 = tpu.memref_slice %arg7[%add3A_405, %dma_start3A_411] : memref<32768x128xf32, #tpu.memory_space<hbm>> -> memref<128x128xf32, #tpu.memory_space<hbm>>
    %dma_start3A_413 = arith.constant 0 : i32
    %dma_start3A_414 = tpu.memref_slice %arg7[%add3A_405, %dma_start3A_413] : memref<32768x128xf32, #tpu.memory_space<hbm>> -> memref<128x128xf32, #tpu.memory_space<hbm>>
    %dma_start3A_415 = arith.constant 0 : i32
    %dma_start3A_416 = arith.constant 0 : i32
    %dma_start3A_417 = tpu.memref_slice %arg11[%dma_start3A_406, %dma_start3A_415, %dma_start3A_416] : memref<2x128x128xf32, #tpu.memory_space<vmem>> -> memref<1x128x128xf32, #tpu.memory_space<vmem>>
    %dma_start3A_418 = tpu.memref_squeeze %dma_start3A_417 : memref<1x128x128xf32, #tpu.memory_space<vmem>> -> memref<128x128xf32, #tpu.memory_space<vmem>>
    tpu.enqueue_dma source(%dma_start3A_418 : memref<128x128xf32, #tpu.memory_space<vmem>>) target(%dma_start3A_414 : memref<128x128xf32, #tpu.memory_space<hbm>>) target_semaphore(%arg19 : memref<!tpu.dma_semaphore, #tpu.memory_space<semaphore_mem>>)
    %dma_wait3A_419 = arith.constant 1 : i32
    %dma_wait3A_420 = arith.constant 0 : i32
    %dma_wait3A_421 = arith.constant 0 : i32
    %dma_wait3A_422 = tpu.memref_slice %arg10[%dma_wait3A_419, %dma_wait3A_420, %dma_wait3A_421] : memref<2x128x128xf32, #tpu.memory_space<vmem>> -> memref<1x128x128xf32, #tpu.memory_space<vmem>>
    %dma_wait3A_423 = tpu.memref_squeeze %dma_wait3A_422 : memref<1x128x128xf32, #tpu.memory_space<vmem>> -> memref<128x128xf32, #tpu.memory_space<vmem>>
    %dma_wait3A_424 = arith.constant 0 : i32
    %dma_wait3A_425 = tpu.memref_slice %arg6[%add3A_390, %dma_wait3A_424] : memref<32768x128xf32, #tpu.memory_space<hbm>> -> memref<128x128xf32, #tpu.memory_space<hbm>>
    %dma_wait3A_426 = arith.constant 0 : i32
    %dma_wait3A_427 = tpu.memref_slice %arg6[%add3A_390, %dma_wait3A_426] : memref<32768x128xf32, #tpu.memory_space<hbm>> -> memref<128x128xf32, #tpu.memory_space<hbm>>
    %dma_wait3A_428 = arith.constant 0 : i32
    %dma_wait3A_429 = arith.constant 0 : i32
    %dma_wait3A_430 = tpu.memref_slice %arg10[%dma_wait3A_419, %dma_wait3A_428, %dma_wait3A_429] : memref<2x128x128xf32, #tpu.memory_space<vmem>> -> memref<1x128x128xf32, #tpu.memory_space<vmem>>
    %dma_wait3A_431 = tpu.memref_squeeze %dma_wait3A_430 : memref<1x128x128xf32, #tpu.memory_space<vmem>> -> memref<128x128xf32, #tpu.memory_space<vmem>>
    tpu.wait_dma2 semaphore(%arg17 : memref<!tpu.dma_semaphore, #tpu.memory_space<semaphore_mem>>) src(%dma_wait3A_431 : memref<128x128xf32, #tpu.memory_space<vmem>>) dst(%dma_wait3A_427 : memref<128x128xf32, #tpu.memory_space<hbm>>)
    %dma_wait3A_432 = arith.constant 1 : i32
    %dma_wait3A_433 = arith.constant 0 : i32
    %dma_wait3A_434 = arith.constant 0 : i32
    %dma_wait3A_435 = tpu.memref_slice %arg11[%dma_wait3A_432, %dma_wait3A_433, %dma_wait3A_434] : memref<2x128x128xf32, #tpu.memory_space<vmem>> -> memref<1x128x128xf32, #tpu.memory_space<vmem>>
    %dma_wait3A_436 = tpu.memref_squeeze %dma_wait3A_435 : memref<1x128x128xf32, #tpu.memory_space<vmem>> -> memref<128x128xf32, #tpu.memory_space<vmem>>
    %dma_wait3A_437 = arith.constant 0 : i32
    %dma_wait3A_438 = tpu.memref_slice %arg7[%add3A_405, %dma_wait3A_437] : memref<32768x128xf32, #tpu.memory_space<hbm>> -> memref<128x128xf32, #tpu.memory_space<hbm>>
    %dma_wait3A_439 = arith.constant 0 : i32
    %dma_wait3A_440 = tpu.memref_slice %arg7[%add3A_405, %dma_wait3A_439] : memref<32768x128xf32, #tpu.memory_space<hbm>> -> memref<128x128xf32, #tpu.memory_space<hbm>>
    %dma_wait3A_441 = arith.constant 0 : i32
    %dma_wait3A_442 = arith.constant 0 : i32
    %dma_wait3A_443 = tpu.memref_slice %arg11[%dma_wait3A_432, %dma_wait3A_441, %dma_wait3A_442] : memref<2x128x128xf32, #tpu.memory_space<vmem>> -> memref<1x128x128xf32, #tpu.memory_space<vmem>>
    %dma_wait3A_444 = tpu.memref_squeeze %dma_wait3A_443 : memref<1x128x128xf32, #tpu.memory_space<vmem>> -> memref<128x128xf32, #tpu.memory_space<vmem>>
    tpu.wait_dma2 semaphore(%arg19 : memref<!tpu.dma_semaphore, #tpu.memory_space<semaphore_mem>>) src(%dma_wait3A_444 : memref<128x128xf32, #tpu.memory_space<vmem>>) dst(%dma_wait3A_440 : memref<128x128xf32, #tpu.memory_space<hbm>>)
    %dma_start3A_445 = arith.constant 5 : i32
    %dma_start3A_446 = arith.constant 1 : i32
    %dma_start3A_447 = arith.constant 0 : i32
    %dma_start3A_448 = arith.constant 0 : i32
    %dma_start3A_449 = tpu.memref_slice %arg10[%dma_start3A_446, %dma_start3A_447, %dma_start3A_448] : memref<2x128x128xf32, #tpu.memory_space<vmem>> -> memref<1x128x128xf32, #tpu.memory_space<vmem>>
    %dma_start3A_450 = tpu.memref_squeeze %dma_start3A_449 : memref<1x128x128xf32, #tpu.memory_space<vmem>> -> memref<128x128xf32, #tpu.memory_space<vmem>>
    %dma_start3A_451 = arith.constant 0 : i32
    %dma_start3A_452 = tpu.memref_slice %arg8[%dma_start3A_445, %dma_start3A_451] : memref<8x128xi32, #tpu.memory_space<vmem>> -> memref<1x128xi32, #tpu.memory_space<vmem>>
    %dma_start3A_453 = tpu.memref_squeeze %dma_start3A_452 : memref<1x128xi32, #tpu.memory_space<vmem>> -> memref<128xi32, #tpu.memory_space<vmem>>
    %dma_start3A_454 = arith.constant 0 : i32
    %dma_start3A_455 = arith.constant 0 : i32
    %dma_start3A_456 = tpu.memref_slice %arg2[%dma_start3A_454, %dma_start3A_455] : memref<802816x128xf32, #tpu.memory_space<hbm>> -> memref<802816x128xf32, #tpu.memory_space<hbm>>
    tpu.enqueue_indirect_dma source(%dma_start3A_456 : memref<802816x128xf32, #tpu.memory_space<hbm>>) target(%dma_start3A_450 : memref<128x128xf32, #tpu.memory_space<vmem>>) offsets(%dma_start3A_453 : memref<128xi32, #tpu.memory_space<vmem>>) semaphore(%arg13 : memref<!tpu.dma_semaphore, #tpu.memory_space<semaphore_mem>>)
    %dma_start3A_457 = arith.constant 5 : i32
    %dma_start3A_458 = arith.constant 1 : i32
    %dma_start3A_459 = arith.constant 0 : i32
    %dma_start3A_460 = arith.constant 0 : i32
    %dma_start3A_461 = tpu.memref_slice %arg11[%dma_start3A_458, %dma_start3A_459, %dma_start3A_460] : memref<2x128x128xf32, #tpu.memory_space<vmem>> -> memref<1x128x128xf32, #tpu.memory_space<vmem>>
    %dma_start3A_462 = tpu.memref_squeeze %dma_start3A_461 : memref<1x128x128xf32, #tpu.memory_space<vmem>> -> memref<128x128xf32, #tpu.memory_space<vmem>>
    %dma_start3A_463 = arith.constant 0 : i32
    %dma_start3A_464 = tpu.memref_slice %arg9[%dma_start3A_457, %dma_start3A_463] : memref<8x128xi32, #tpu.memory_space<vmem>> -> memref<1x128xi32, #tpu.memory_space<vmem>>
    %dma_start3A_465 = tpu.memref_squeeze %dma_start3A_464 : memref<1x128xi32, #tpu.memory_space<vmem>> -> memref<128xi32, #tpu.memory_space<vmem>>
    %dma_start3A_466 = arith.constant 0 : i32
    %dma_start3A_467 = arith.constant 0 : i32
    %dma_start3A_468 = tpu.memref_slice %arg3[%dma_start3A_466, %dma_start3A_467] : memref<784x128xf32, #tpu.memory_space<hbm>> -> memref<784x128xf32, #tpu.memory_space<hbm>>
    tpu.enqueue_indirect_dma source(%dma_start3A_468 : memref<784x128xf32, #tpu.memory_space<hbm>>) target(%dma_start3A_462 : memref<128x128xf32, #tpu.memory_space<vmem>>) offsets(%dma_start3A_465 : memref<128xi32, #tpu.memory_space<vmem>>) semaphore(%arg15 : memref<!tpu.dma_semaphore, #tpu.memory_space<semaphore_mem>>)
    %dma_wait3A_469 = arith.constant 4 : i32
    %dma_wait3A_470 = arith.constant 0 : i32
    %dma_wait3A_471 = arith.constant 0 : i32
    %dma_wait3A_472 = arith.constant 0 : i32
    %dma_wait3A_473 = tpu.memref_slice %arg10[%dma_wait3A_470, %dma_wait3A_471, %dma_wait3A_472] : memref<2x128x128xf32, #tpu.memory_space<vmem>> -> memref<1x128x128xf32, #tpu.memory_space<vmem>>
    %dma_wait3A_474 = tpu.memref_squeeze %dma_wait3A_473 : memref<1x128x128xf32, #tpu.memory_space<vmem>> -> memref<128x128xf32, #tpu.memory_space<vmem>>
    %dma_wait3A_475 = arith.constant 0 : i32
    %dma_wait3A_476 = tpu.memref_slice %arg8[%dma_wait3A_469, %dma_wait3A_475] : memref<8x128xi32, #tpu.memory_space<vmem>> -> memref<1x128xi32, #tpu.memory_space<vmem>>
    %dma_wait3A_477 = tpu.memref_squeeze %dma_wait3A_476 : memref<1x128xi32, #tpu.memory_space<vmem>> -> memref<128xi32, #tpu.memory_space<vmem>>
    %dma_wait3A_478 = arith.constant 0 : i32
    %dma_wait3A_479 = arith.constant 0 : i32
    %dma_wait3A_480 = tpu.memref_slice %arg2[%dma_wait3A_478, %dma_wait3A_479] : memref<802816x128xf32, #tpu.memory_space<hbm>> -> memref<802816x128xf32, #tpu.memory_space<hbm>>
    tpu.wait_indirect_dma semaphore(%arg12 : memref<!tpu.dma_semaphore, #tpu.memory_space<semaphore_mem>>) src(%dma_wait3A_480 : memref<802816x128xf32, #tpu.memory_space<hbm>>) dst(%dma_wait3A_474 : memref<128x128xf32, #tpu.memory_space<vmem>>)
    %dma_wait3A_481 = arith.constant 4 : i32
    %dma_wait3A_482 = arith.constant 0 : i32
    %dma_wait3A_483 = arith.constant 0 : i32
    %dma_wait3A_484 = arith.constant 0 : i32
    %dma_wait3A_485 = tpu.memref_slice %arg11[%dma_wait3A_482, %dma_wait3A_483, %dma_wait3A_484] : memref<2x128x128xf32, #tpu.memory_space<vmem>> -> memref<1x128x128xf32, #tpu.memory_space<vmem>>
    %dma_wait3A_486 = tpu.memref_squeeze %dma_wait3A_485 : memref<1x128x128xf32, #tpu.memory_space<vmem>> -> memref<128x128xf32, #tpu.memory_space<vmem>>
    %dma_wait3A_487 = arith.constant 0 : i32
    %dma_wait3A_488 = tpu.memref_slice %arg9[%dma_wait3A_481, %dma_wait3A_487] : memref<8x128xi32, #tpu.memory_space<vmem>> -> memref<1x128xi32, #tpu.memory_space<vmem>>
    %dma_wait3A_489 = tpu.memref_squeeze %dma_wait3A_488 : memref<1x128xi32, #tpu.memory_space<vmem>> -> memref<128xi32, #tpu.memory_space<vmem>>
    %dma_wait3A_490 = arith.constant 0 : i32
    %dma_wait3A_491 = arith.constant 0 : i32
    %dma_wait3A_492 = tpu.memref_slice %arg3[%dma_wait3A_490, %dma_wait3A_491] : memref<784x128xf32, #tpu.memory_space<hbm>> -> memref<784x128xf32, #tpu.memory_space<hbm>>
    tpu.wait_indirect_dma semaphore(%arg14 : memref<!tpu.dma_semaphore, #tpu.memory_space<semaphore_mem>>) src(%dma_wait3A_492 : memref<784x128xf32, #tpu.memory_space<hbm>>) dst(%dma_wait3A_486 : memref<128x128xf32, #tpu.memory_space<vmem>>)
    %add3A_493 = arith.constant 512 : i32
    %add3A_494 = arith.addi %mul3A_2, %add3A_493 : i32
    %dma_start3A_495 = arith.constant 0 : i32
    %dma_start3A_496 = arith.constant 0 : i32
    %dma_start3A_497 = arith.constant 0 : i32
    %dma_start3A_498 = tpu.memref_slice %arg10[%dma_start3A_495, %dma_start3A_496, %dma_start3A_497] : memref<2x128x128xf32, #tpu.memory_space<vmem>> -> memref<1x128x128xf32, #tpu.memory_space<vmem>>
    %dma_start3A_499 = tpu.memref_squeeze %dma_start3A_498 : memref<1x128x128xf32, #tpu.memory_space<vmem>> -> memref<128x128xf32, #tpu.memory_space<vmem>>
    %dma_start3A_500 = arith.constant 0 : i32
    %dma_start3A_501 = tpu.memref_slice %arg6[%add3A_494, %dma_start3A_500] : memref<32768x128xf32, #tpu.memory_space<hbm>> -> memref<128x128xf32, #tpu.memory_space<hbm>>
    %dma_start3A_502 = arith.constant 0 : i32
    %dma_start3A_503 = tpu.memref_slice %arg6[%add3A_494, %dma_start3A_502] : memref<32768x128xf32, #tpu.memory_space<hbm>> -> memref<128x128xf32, #tpu.memory_space<hbm>>
    %dma_start3A_504 = arith.constant 0 : i32
    %dma_start3A_505 = arith.constant 0 : i32
    %dma_start3A_506 = tpu.memref_slice %arg10[%dma_start3A_495, %dma_start3A_504, %dma_start3A_505] : memref<2x128x128xf32, #tpu.memory_space<vmem>> -> memref<1x128x128xf32, #tpu.memory_space<vmem>>
    %dma_start3A_507 = tpu.memref_squeeze %dma_start3A_506 : memref<1x128x128xf32, #tpu.memory_space<vmem>> -> memref<128x128xf32, #tpu.memory_space<vmem>>
    tpu.enqueue_dma source(%dma_start3A_507 : memref<128x128xf32, #tpu.memory_space<vmem>>) target(%dma_start3A_503 : memref<128x128xf32, #tpu.memory_space<hbm>>) target_semaphore(%arg16 : memref<!tpu.dma_semaphore, #tpu.memory_space<semaphore_mem>>)
    %add3A_508 = arith.constant 512 : i32
    %add3A_509 = arith.addi %mul3A_2, %add3A_508 : i32
    %dma_start3A_510 = arith.constant 0 : i32
    %dma_start3A_511 = arith.constant 0 : i32
    %dma_start3A_512 = arith.constant 0 : i32
    %dma_start3A_513 = tpu.memref_slice %arg11[%dma_start3A_510, %dma_start3A_511, %dma_start3A_512] : memref<2x128x128xf32, #tpu.memory_space<vmem>> -> memref<1x128x128xf32, #tpu.memory_space<vmem>>
    %dma_start3A_514 = tpu.memref_squeeze %dma_start3A_513 : memref<1x128x128xf32, #tpu.memory_space<vmem>> -> memref<128x128xf32, #tpu.memory_space<vmem>>
    %dma_start3A_515 = arith.constant 0 : i32
    %dma_start3A_516 = tpu.memref_slice %arg7[%add3A_509, %dma_start3A_515] : memref<32768x128xf32, #tpu.memory_space<hbm>> -> memref<128x128xf32, #tpu.memory_space<hbm>>
    %dma_start3A_517 = arith.constant 0 : i32
    %dma_start3A_518 = tpu.memref_slice %arg7[%add3A_509, %dma_start3A_517] : memref<32768x128xf32, #tpu.memory_space<hbm>> -> memref<128x128xf32, #tpu.memory_space<hbm>>
    %dma_start3A_519 = arith.constant 0 : i32
    %dma_start3A_520 = arith.constant 0 : i32
    %dma_start3A_521 = tpu.memref_slice %arg11[%dma_start3A_510, %dma_start3A_519, %dma_start3A_520] : memref<2x128x128xf32, #tpu.memory_space<vmem>> -> memref<1x128x128xf32, #tpu.memory_space<vmem>>
    %dma_start3A_522 = tpu.memref_squeeze %dma_start3A_521 : memref<1x128x128xf32, #tpu.memory_space<vmem>> -> memref<128x128xf32, #tpu.memory_space<vmem>>
    tpu.enqueue_dma source(%dma_start3A_522 : memref<128x128xf32, #tpu.memory_space<vmem>>) target(%dma_start3A_518 : memref<128x128xf32, #tpu.memory_space<hbm>>) target_semaphore(%arg18 : memref<!tpu.dma_semaphore, #tpu.memory_space<semaphore_mem>>)
    %dma_wait3A_523 = arith.constant 0 : i32
    %dma_wait3A_524 = arith.constant 0 : i32
    %dma_wait3A_525 = arith.constant 0 : i32
    %dma_wait3A_526 = tpu.memref_slice %arg10[%dma_wait3A_523, %dma_wait3A_524, %dma_wait3A_525] : memref<2x128x128xf32, #tpu.memory_space<vmem>> -> memref<1x128x128xf32, #tpu.memory_space<vmem>>
    %dma_wait3A_527 = tpu.memref_squeeze %dma_wait3A_526 : memref<1x128x128xf32, #tpu.memory_space<vmem>> -> memref<128x128xf32, #tpu.memory_space<vmem>>
    %dma_wait3A_528 = arith.constant 0 : i32
    %dma_wait3A_529 = tpu.memref_slice %arg6[%add3A_494, %dma_wait3A_528] : memref<32768x128xf32, #tpu.memory_space<hbm>> -> memref<128x128xf32, #tpu.memory_space<hbm>>
    %dma_wait3A_530 = arith.constant 0 : i32
    %dma_wait3A_531 = tpu.memref_slice %arg6[%add3A_494, %dma_wait3A_530] : memref<32768x128xf32, #tpu.memory_space<hbm>> -> memref<128x128xf32, #tpu.memory_space<hbm>>
    %dma_wait3A_532 = arith.constant 0 : i32
    %dma_wait3A_533 = arith.constant 0 : i32
    %dma_wait3A_534 = tpu.memref_slice %arg10[%dma_wait3A_523, %dma_wait3A_532, %dma_wait3A_533] : memref<2x128x128xf32, #tpu.memory_space<vmem>> -> memref<1x128x128xf32, #tpu.memory_space<vmem>>
    %dma_wait3A_535 = tpu.memref_squeeze %dma_wait3A_534 : memref<1x128x128xf32, #tpu.memory_space<vmem>> -> memref<128x128xf32, #tpu.memory_space<vmem>>
    tpu.wait_dma2 semaphore(%arg16 : memref<!tpu.dma_semaphore, #tpu.memory_space<semaphore_mem>>) src(%dma_wait3A_535 : memref<128x128xf32, #tpu.memory_space<vmem>>) dst(%dma_wait3A_531 : memref<128x128xf32, #tpu.memory_space<hbm>>)
    %dma_wait3A_536 = arith.constant 0 : i32
    %dma_wait3A_537 = arith.constant 0 : i32
    %dma_wait3A_538 = arith.constant 0 : i32
    %dma_wait3A_539 = tpu.memref_slice %arg11[%dma_wait3A_536, %dma_wait3A_537, %dma_wait3A_538] : memref<2x128x128xf32, #tpu.memory_space<vmem>> -> memref<1x128x128xf32, #tpu.memory_space<vmem>>
    %dma_wait3A_540 = tpu.memref_squeeze %dma_wait3A_539 : memref<1x128x128xf32, #tpu.memory_space<vmem>> -> memref<128x128xf32, #tpu.memory_space<vmem>>
    %dma_wait3A_541 = arith.constant 0 : i32
    %dma_wait3A_542 = tpu.memref_slice %arg7[%add3A_509, %dma_wait3A_541] : memref<32768x128xf32, #tpu.memory_space<hbm>> -> memref<128x128xf32, #tpu.memory_space<hbm>>
    %dma_wait3A_543 = arith.constant 0 : i32
    %dma_wait3A_544 = tpu.memref_slice %arg7[%add3A_509, %dma_wait3A_543] : memref<32768x128xf32, #tpu.memory_space<hbm>> -> memref<128x128xf32, #tpu.memory_space<hbm>>
    %dma_wait3A_545 = arith.constant 0 : i32
    %dma_wait3A_546 = arith.constant 0 : i32
    %dma_wait3A_547 = tpu.memref_slice %arg11[%dma_wait3A_536, %dma_wait3A_545, %dma_wait3A_546] : memref<2x128x128xf32, #tpu.memory_space<vmem>> -> memref<1x128x128xf32, #tpu.memory_space<vmem>>
    %dma_wait3A_548 = tpu.memref_squeeze %dma_wait3A_547 : memref<1x128x128xf32, #tpu.memory_space<vmem>> -> memref<128x128xf32, #tpu.memory_space<vmem>>
    tpu.wait_dma2 semaphore(%arg18 : memref<!tpu.dma_semaphore, #tpu.memory_space<semaphore_mem>>) src(%dma_wait3A_548 : memref<128x128xf32, #tpu.memory_space<vmem>>) dst(%dma_wait3A_544 : memref<128x128xf32, #tpu.memory_space<hbm>>)
    %dma_start3A_549 = arith.constant 6 : i32
    %dma_start3A_550 = arith.constant 0 : i32
    %dma_start3A_551 = arith.constant 0 : i32
    %dma_start3A_552 = arith.constant 0 : i32
    %dma_start3A_553 = tpu.memref_slice %arg10[%dma_start3A_550, %dma_start3A_551, %dma_start3A_552] : memref<2x128x128xf32, #tpu.memory_space<vmem>> -> memref<1x128x128xf32, #tpu.memory_space<vmem>>
    %dma_start3A_554 = tpu.memref_squeeze %dma_start3A_553 : memref<1x128x128xf32, #tpu.memory_space<vmem>> -> memref<128x128xf32, #tpu.memory_space<vmem>>
    %dma_start3A_555 = arith.constant 0 : i32
    %dma_start3A_556 = tpu.memref_slice %arg8[%dma_start3A_549, %dma_start3A_555] : memref<8x128xi32, #tpu.memory_space<vmem>> -> memref<1x128xi32, #tpu.memory_space<vmem>>
    %dma_start3A_557 = tpu.memref_squeeze %dma_start3A_556 : memref<1x128xi32, #tpu.memory_space<vmem>> -> memref<128xi32, #tpu.memory_space<vmem>>
    %dma_start3A_558 = arith.constant 0 : i32
    %dma_start3A_559 = arith.constant 0 : i32
    %dma_start3A_560 = tpu.memref_slice %arg2[%dma_start3A_558, %dma_start3A_559] : memref<802816x128xf32, #tpu.memory_space<hbm>> -> memref<802816x128xf32, #tpu.memory_space<hbm>>
    tpu.enqueue_indirect_dma source(%dma_start3A_560 : memref<802816x128xf32, #tpu.memory_space<hbm>>) target(%dma_start3A_554 : memref<128x128xf32, #tpu.memory_space<vmem>>) offsets(%dma_start3A_557 : memref<128xi32, #tpu.memory_space<vmem>>) semaphore(%arg12 : memref<!tpu.dma_semaphore, #tpu.memory_space<semaphore_mem>>)
    %dma_start3A_561 = arith.constant 6 : i32
    %dma_start3A_562 = arith.constant 0 : i32
    %dma_start3A_563 = arith.constant 0 : i32
    %dma_start3A_564 = arith.constant 0 : i32
    %dma_start3A_565 = tpu.memref_slice %arg11[%dma_start3A_562, %dma_start3A_563, %dma_start3A_564] : memref<2x128x128xf32, #tpu.memory_space<vmem>> -> memref<1x128x128xf32, #tpu.memory_space<vmem>>
    %dma_start3A_566 = tpu.memref_squeeze %dma_start3A_565 : memref<1x128x128xf32, #tpu.memory_space<vmem>> -> memref<128x128xf32, #tpu.memory_space<vmem>>
    %dma_start3A_567 = arith.constant 0 : i32
    %dma_start3A_568 = tpu.memref_slice %arg9[%dma_start3A_561, %dma_start3A_567] : memref<8x128xi32, #tpu.memory_space<vmem>> -> memref<1x128xi32, #tpu.memory_space<vmem>>
    %dma_start3A_569 = tpu.memref_squeeze %dma_start3A_568 : memref<1x128xi32, #tpu.memory_space<vmem>> -> memref<128xi32, #tpu.memory_space<vmem>>
    %dma_start3A_570 = arith.constant 0 : i32
    %dma_start3A_571 = arith.constant 0 : i32
    %dma_start3A_572 = tpu.memref_slice %arg3[%dma_start3A_570, %dma_start3A_571] : memref<784x128xf32, #tpu.memory_space<hbm>> -> memref<784x128xf32, #tpu.memory_space<hbm>>
    tpu.enqueue_indirect_dma source(%dma_start3A_572 : memref<784x128xf32, #tpu.memory_space<hbm>>) target(%dma_start3A_566 : memref<128x128xf32, #tpu.memory_space<vmem>>) offsets(%dma_start3A_569 : memref<128xi32, #tpu.memory_space<vmem>>) semaphore(%arg14 : memref<!tpu.dma_semaphore, #tpu.memory_space<semaphore_mem>>)
    %dma_wait3A_573 = arith.constant 5 : i32
    %dma_wait3A_574 = arith.constant 1 : i32
    %dma_wait3A_575 = arith.constant 0 : i32
    %dma_wait3A_576 = arith.constant 0 : i32
    %dma_wait3A_577 = tpu.memref_slice %arg10[%dma_wait3A_574, %dma_wait3A_575, %dma_wait3A_576] : memref<2x128x128xf32, #tpu.memory_space<vmem>> -> memref<1x128x128xf32, #tpu.memory_space<vmem>>
    %dma_wait3A_578 = tpu.memref_squeeze %dma_wait3A_577 : memref<1x128x128xf32, #tpu.memory_space<vmem>> -> memref<128x128xf32, #tpu.memory_space<vmem>>
    %dma_wait3A_579 = arith.constant 0 : i32
    %dma_wait3A_580 = tpu.memref_slice %arg8[%dma_wait3A_573, %dma_wait3A_579] : memref<8x128xi32, #tpu.memory_space<vmem>> -> memref<1x128xi32, #tpu.memory_space<vmem>>
    %dma_wait3A_581 = tpu.memref_squeeze %dma_wait3A_580 : memref<1x128xi32, #tpu.memory_space<vmem>> -> memref<128xi32, #tpu.memory_space<vmem>>
    %dma_wait3A_582 = arith.constant 0 : i32
    %dma_wait3A_583 = arith.constant 0 : i32
    %dma_wait3A_584 = tpu.memref_slice %arg2[%dma_wait3A_582, %dma_wait3A_583] : memref<802816x128xf32, #tpu.memory_space<hbm>> -> memref<802816x128xf32, #tpu.memory_space<hbm>>
    tpu.wait_indirect_dma semaphore(%arg13 : memref<!tpu.dma_semaphore, #tpu.memory_space<semaphore_mem>>) src(%dma_wait3A_584 : memref<802816x128xf32, #tpu.memory_space<hbm>>) dst(%dma_wait3A_578 : memref<128x128xf32, #tpu.memory_space<vmem>>)
    %dma_wait3A_585 = arith.constant 5 : i32
    %dma_wait3A_586 = arith.constant 1 : i32
    %dma_wait3A_587 = arith.constant 0 : i32
    %dma_wait3A_588 = arith.constant 0 : i32
    %dma_wait3A_589 = tpu.memref_slice %arg11[%dma_wait3A_586, %dma_wait3A_587, %dma_wait3A_588] : memref<2x128x128xf32, #tpu.memory_space<vmem>> -> memref<1x128x128xf32, #tpu.memory_space<vmem>>
    %dma_wait3A_590 = tpu.memref_squeeze %dma_wait3A_589 : memref<1x128x128xf32, #tpu.memory_space<vmem>> -> memref<128x128xf32, #tpu.memory_space<vmem>>
    %dma_wait3A_591 = arith.constant 0 : i32
    %dma_wait3A_592 = tpu.memref_slice %arg9[%dma_wait3A_585, %dma_wait3A_591] : memref<8x128xi32, #tpu.memory_space<vmem>> -> memref<1x128xi32, #tpu.memory_space<vmem>>
    %dma_wait3A_593 = tpu.memref_squeeze %dma_wait3A_592 : memref<1x128xi32, #tpu.memory_space<vmem>> -> memref<128xi32, #tpu.memory_space<vmem>>
    %dma_wait3A_594 = arith.constant 0 : i32
    %dma_wait3A_595 = arith.constant 0 : i32
    %dma_wait3A_596 = tpu.memref_slice %arg3[%dma_wait3A_594, %dma_wait3A_595] : memref<784x128xf32, #tpu.memory_space<hbm>> -> memref<784x128xf32, #tpu.memory_space<hbm>>
    tpu.wait_indirect_dma semaphore(%arg15 : memref<!tpu.dma_semaphore, #tpu.memory_space<semaphore_mem>>) src(%dma_wait3A_596 : memref<784x128xf32, #tpu.memory_space<hbm>>) dst(%dma_wait3A_590 : memref<128x128xf32, #tpu.memory_space<vmem>>)
    %add3A_597 = arith.constant 640 : i32
    %add3A_598 = arith.addi %mul3A_2, %add3A_597 : i32
    %dma_start3A_599 = arith.constant 1 : i32
    %dma_start3A_600 = arith.constant 0 : i32
    %dma_start3A_601 = arith.constant 0 : i32
    %dma_start3A_602 = tpu.memref_slice %arg10[%dma_start3A_599, %dma_start3A_600, %dma_start3A_601] : memref<2x128x128xf32, #tpu.memory_space<vmem>> -> memref<1x128x128xf32, #tpu.memory_space<vmem>>
    %dma_start3A_603 = tpu.memref_squeeze %dma_start3A_602 : memref<1x128x128xf32, #tpu.memory_space<vmem>> -> memref<128x128xf32, #tpu.memory_space<vmem>>
    %dma_start3A_604 = arith.constant 0 : i32
    %dma_start3A_605 = tpu.memref_slice %arg6[%add3A_598, %dma_start3A_604] : memref<32768x128xf32, #tpu.memory_space<hbm>> -> memref<128x128xf32, #tpu.memory_space<hbm>>
    %dma_start3A_606 = arith.constant 0 : i32
    %dma_start3A_607 = tpu.memref_slice %arg6[%add3A_598, %dma_start3A_606] : memref<32768x128xf32, #tpu.memory_space<hbm>> -> memref<128x128xf32, #tpu.memory_space<hbm>>
    %dma_start3A_608 = arith.constant 0 : i32
    %dma_start3A_609 = arith.constant 0 : i32
    %dma_start3A_610 = tpu.memref_slice %arg10[%dma_start3A_599, %dma_start3A_608, %dma_start3A_609] : memref<2x128x128xf32, #tpu.memory_space<vmem>> -> memref<1x128x128xf32, #tpu.memory_space<vmem>>
    %dma_start3A_611 = tpu.memref_squeeze %dma_start3A_610 : memref<1x128x128xf32, #tpu.memory_space<vmem>> -> memref<128x128xf32, #tpu.memory_space<vmem>>
    tpu.enqueue_dma source(%dma_start3A_611 : memref<128x128xf32, #tpu.memory_space<vmem>>) target(%dma_start3A_607 : memref<128x128xf32, #tpu.memory_space<hbm>>) target_semaphore(%arg17 : memref<!tpu.dma_semaphore, #tpu.memory_space<semaphore_mem>>)
    %add3A_612 = arith.constant 640 : i32
    %add3A_613 = arith.addi %mul3A_2, %add3A_612 : i32
    %dma_start3A_614 = arith.constant 1 : i32
    %dma_start3A_615 = arith.constant 0 : i32
    %dma_start3A_616 = arith.constant 0 : i32
    %dma_start3A_617 = tpu.memref_slice %arg11[%dma_start3A_614, %dma_start3A_615, %dma_start3A_616] : memref<2x128x128xf32, #tpu.memory_space<vmem>> -> memref<1x128x128xf32, #tpu.memory_space<vmem>>
    %dma_start3A_618 = tpu.memref_squeeze %dma_start3A_617 : memref<1x128x128xf32, #tpu.memory_space<vmem>> -> memref<128x128xf32, #tpu.memory_space<vmem>>
    %dma_start3A_619 = arith.constant 0 : i32
    %dma_start3A_620 = tpu.memref_slice %arg7[%add3A_613, %dma_start3A_619] : memref<32768x128xf32, #tpu.memory_space<hbm>> -> memref<128x128xf32, #tpu.memory_space<hbm>>
    %dma_start3A_621 = arith.constant 0 : i32
    %dma_start3A_622 = tpu.memref_slice %arg7[%add3A_613, %dma_start3A_621] : memref<32768x128xf32, #tpu.memory_space<hbm>> -> memref<128x128xf32, #tpu.memory_space<hbm>>
    %dma_start3A_623 = arith.constant 0 : i32
    %dma_start3A_624 = arith.constant 0 : i32
    %dma_start3A_625 = tpu.memref_slice %arg11[%dma_start3A_614, %dma_start3A_623, %dma_start3A_624] : memref<2x128x128xf32, #tpu.memory_space<vmem>> -> memref<1x128x128xf32, #tpu.memory_space<vmem>>
    %dma_start3A_626 = tpu.memref_squeeze %dma_start3A_625 : memref<1x128x128xf32, #tpu.memory_space<vmem>> -> memref<128x128xf32, #tpu.memory_space<vmem>>
    tpu.enqueue_dma source(%dma_start3A_626 : memref<128x128xf32, #tpu.memory_space<vmem>>) target(%dma_start3A_622 : memref<128x128xf32, #tpu.memory_space<hbm>>) target_semaphore(%arg19 : memref<!tpu.dma_semaphore, #tpu.memory_space<semaphore_mem>>)
    %dma_wait3A_627 = arith.constant 1 : i32
    %dma_wait3A_628 = arith.constant 0 : i32
    %dma_wait3A_629 = arith.constant 0 : i32
    %dma_wait3A_630 = tpu.memref_slice %arg10[%dma_wait3A_627, %dma_wait3A_628, %dma_wait3A_629] : memref<2x128x128xf32, #tpu.memory_space<vmem>> -> memref<1x128x128xf32, #tpu.memory_space<vmem>>
    %dma_wait3A_631 = tpu.memref_squeeze %dma_wait3A_630 : memref<1x128x128xf32, #tpu.memory_space<vmem>> -> memref<128x128xf32, #tpu.memory_space<vmem>>
    %dma_wait3A_632 = arith.constant 0 : i32
    %dma_wait3A_633 = tpu.memref_slice %arg6[%add3A_598, %dma_wait3A_632] : memref<32768x128xf32, #tpu.memory_space<hbm>> -> memref<128x128xf32, #tpu.memory_space<hbm>>
    %dma_wait3A_634 = arith.constant 0 : i32
    %dma_wait3A_635 = tpu.memref_slice %arg6[%add3A_598, %dma_wait3A_634] : memref<32768x128xf32, #tpu.memory_space<hbm>> -> memref<128x128xf32, #tpu.memory_space<hbm>>
    %dma_wait3A_636 = arith.constant 0 : i32
    %dma_wait3A_637 = arith.constant 0 : i32
    %dma_wait3A_638 = tpu.memref_slice %arg10[%dma_wait3A_627, %dma_wait3A_636, %dma_wait3A_637] : memref<2x128x128xf32, #tpu.memory_space<vmem>> -> memref<1x128x128xf32, #tpu.memory_space<vmem>>
    %dma_wait3A_639 = tpu.memref_squeeze %dma_wait3A_638 : memref<1x128x128xf32, #tpu.memory_space<vmem>> -> memref<128x128xf32, #tpu.memory_space<vmem>>
    tpu.wait_dma2 semaphore(%arg17 : memref<!tpu.dma_semaphore, #tpu.memory_space<semaphore_mem>>) src(%dma_wait3A_639 : memref<128x128xf32, #tpu.memory_space<vmem>>) dst(%dma_wait3A_635 : memref<128x128xf32, #tpu.memory_space<hbm>>)
    %dma_wait3A_640 = arith.constant 1 : i32
    %dma_wait3A_641 = arith.constant 0 : i32
    %dma_wait3A_642 = arith.constant 0 : i32
    %dma_wait3A_643 = tpu.memref_slice %arg11[%dma_wait3A_640, %dma_wait3A_641, %dma_wait3A_642] : memref<2x128x128xf32, #tpu.memory_space<vmem>> -> memref<1x128x128xf32, #tpu.memory_space<vmem>>
    %dma_wait3A_644 = tpu.memref_squeeze %dma_wait3A_643 : memref<1x128x128xf32, #tpu.memory_space<vmem>> -> memref<128x128xf32, #tpu.memory_space<vmem>>
    %dma_wait3A_645 = arith.constant 0 : i32
    %dma_wait3A_646 = tpu.memref_slice %arg7[%add3A_613, %dma_wait3A_645] : memref<32768x128xf32, #tpu.memory_space<hbm>> -> memref<128x128xf32, #tpu.memory_space<hbm>>
    %dma_wait3A_647 = arith.constant 0 : i32
    %dma_wait3A_648 = tpu.memref_slice %arg7[%add3A_613, %dma_wait3A_647] : memref<32768x128xf32, #tpu.memory_space<hbm>> -> memref<128x128xf32, #tpu.memory_space<hbm>>
    %dma_wait3A_649 = arith.constant 0 : i32
    %dma_wait3A_650 = arith.constant 0 : i32
    %dma_wait3A_651 = tpu.memref_slice %arg11[%dma_wait3A_640, %dma_wait3A_649, %dma_wait3A_650] : memref<2x128x128xf32, #tpu.memory_space<vmem>> -> memref<1x128x128xf32, #tpu.memory_space<vmem>>
    %dma_wait3A_652 = tpu.memref_squeeze %dma_wait3A_651 : memref<1x128x128xf32, #tpu.memory_space<vmem>> -> memref<128x128xf32, #tpu.memory_space<vmem>>
    tpu.wait_dma2 semaphore(%arg19 : memref<!tpu.dma_semaphore, #tpu.memory_space<semaphore_mem>>) src(%dma_wait3A_652 : memref<128x128xf32, #tpu.memory_space<vmem>>) dst(%dma_wait3A_648 : memref<128x128xf32, #tpu.memory_space<hbm>>)
    %dma_start3A_653 = arith.constant 7 : i32
    %dma_start3A_654 = arith.constant 1 : i32
    %dma_start3A_655 = arith.constant 0 : i32
    %dma_start3A_656 = arith.constant 0 : i32
    %dma_start3A_657 = tpu.memref_slice %arg10[%dma_start3A_654, %dma_start3A_655, %dma_start3A_656] : memref<2x128x128xf32, #tpu.memory_space<vmem>> -> memref<1x128x128xf32, #tpu.memory_space<vmem>>
    %dma_start3A_658 = tpu.memref_squeeze %dma_start3A_657 : memref<1x128x128xf32, #tpu.memory_space<vmem>> -> memref<128x128xf32, #tpu.memory_space<vmem>>
    %dma_start3A_659 = arith.constant 0 : i32
    %dma_start3A_660 = tpu.memref_slice %arg8[%dma_start3A_653, %dma_start3A_659] : memref<8x128xi32, #tpu.memory_space<vmem>> -> memref<1x128xi32, #tpu.memory_space<vmem>>
    %dma_start3A_661 = tpu.memref_squeeze %dma_start3A_660 : memref<1x128xi32, #tpu.memory_space<vmem>> -> memref<128xi32, #tpu.memory_space<vmem>>
    %dma_start3A_662 = arith.constant 0 : i32
    %dma_start3A_663 = arith.constant 0 : i32
    %dma_start3A_664 = tpu.memref_slice %arg2[%dma_start3A_662, %dma_start3A_663] : memref<802816x128xf32, #tpu.memory_space<hbm>> -> memref<802816x128xf32, #tpu.memory_space<hbm>>
    tpu.enqueue_indirect_dma source(%dma_start3A_664 : memref<802816x128xf32, #tpu.memory_space<hbm>>) target(%dma_start3A_658 : memref<128x128xf32, #tpu.memory_space<vmem>>) offsets(%dma_start3A_661 : memref<128xi32, #tpu.memory_space<vmem>>) semaphore(%arg13 : memref<!tpu.dma_semaphore, #tpu.memory_space<semaphore_mem>>)
    %dma_start3A_665 = arith.constant 7 : i32
    %dma_start3A_666 = arith.constant 1 : i32
    %dma_start3A_667 = arith.constant 0 : i32
    %dma_start3A_668 = arith.constant 0 : i32
    %dma_start3A_669 = tpu.memref_slice %arg11[%dma_start3A_666, %dma_start3A_667, %dma_start3A_668] : memref<2x128x128xf32, #tpu.memory_space<vmem>> -> memref<1x128x128xf32, #tpu.memory_space<vmem>>
    %dma_start3A_670 = tpu.memref_squeeze %dma_start3A_669 : memref<1x128x128xf32, #tpu.memory_space<vmem>> -> memref<128x128xf32, #tpu.memory_space<vmem>>
    %dma_start3A_671 = arith.constant 0 : i32
    %dma_start3A_672 = tpu.memref_slice %arg9[%dma_start3A_665, %dma_start3A_671] : memref<8x128xi32, #tpu.memory_space<vmem>> -> memref<1x128xi32, #tpu.memory_space<vmem>>
    %dma_start3A_673 = tpu.memref_squeeze %dma_start3A_672 : memref<1x128xi32, #tpu.memory_space<vmem>> -> memref<128xi32, #tpu.memory_space<vmem>>
    %dma_start3A_674 = arith.constant 0 : i32
    %dma_start3A_675 = arith.constant 0 : i32
    %dma_start3A_676 = tpu.memref_slice %arg3[%dma_start3A_674, %dma_start3A_675] : memref<784x128xf32, #tpu.memory_space<hbm>> -> memref<784x128xf32, #tpu.memory_space<hbm>>
    tpu.enqueue_indirect_dma source(%dma_start3A_676 : memref<784x128xf32, #tpu.memory_space<hbm>>) target(%dma_start3A_670 : memref<128x128xf32, #tpu.memory_space<vmem>>) offsets(%dma_start3A_673 : memref<128xi32, #tpu.memory_space<vmem>>) semaphore(%arg15 : memref<!tpu.dma_semaphore, #tpu.memory_space<semaphore_mem>>)
    %dma_wait3A_677 = arith.constant 6 : i32
    %dma_wait3A_678 = arith.constant 0 : i32
    %dma_wait3A_679 = arith.constant 0 : i32
    %dma_wait3A_680 = arith.constant 0 : i32
    %dma_wait3A_681 = tpu.memref_slice %arg10[%dma_wait3A_678, %dma_wait3A_679, %dma_wait3A_680] : memref<2x128x128xf32, #tpu.memory_space<vmem>> -> memref<1x128x128xf32, #tpu.memory_space<vmem>>
    %dma_wait3A_682 = tpu.memref_squeeze %dma_wait3A_681 : memref<1x128x128xf32, #tpu.memory_space<vmem>> -> memref<128x128xf32, #tpu.memory_space<vmem>>
    %dma_wait3A_683 = arith.constant 0 : i32
    %dma_wait3A_684 = tpu.memref_slice %arg8[%dma_wait3A_677, %dma_wait3A_683] : memref<8x128xi32, #tpu.memory_space<vmem>> -> memref<1x128xi32, #tpu.memory_space<vmem>>
    %dma_wait3A_685 = tpu.memref_squeeze %dma_wait3A_684 : memref<1x128xi32, #tpu.memory_space<vmem>> -> memref<128xi32, #tpu.memory_space<vmem>>
    %dma_wait3A_686 = arith.constant 0 : i32
    %dma_wait3A_687 = arith.constant 0 : i32
    %dma_wait3A_688 = tpu.memref_slice %arg2[%dma_wait3A_686, %dma_wait3A_687] : memref<802816x128xf32, #tpu.memory_space<hbm>> -> memref<802816x128xf32, #tpu.memory_space<hbm>>
    tpu.wait_indirect_dma semaphore(%arg12 : memref<!tpu.dma_semaphore, #tpu.memory_space<semaphore_mem>>) src(%dma_wait3A_688 : memref<802816x128xf32, #tpu.memory_space<hbm>>) dst(%dma_wait3A_682 : memref<128x128xf32, #tpu.memory_space<vmem>>)
    %dma_wait3A_689 = arith.constant 6 : i32
    %dma_wait3A_690 = arith.constant 0 : i32
    %dma_wait3A_691 = arith.constant 0 : i32
    %dma_wait3A_692 = arith.constant 0 : i32
    %dma_wait3A_693 = tpu.memref_slice %arg11[%dma_wait3A_690, %dma_wait3A_691, %dma_wait3A_692] : memref<2x128x128xf32, #tpu.memory_space<vmem>> -> memref<1x128x128xf32, #tpu.memory_space<vmem>>
    %dma_wait3A_694 = tpu.memref_squeeze %dma_wait3A_693 : memref<1x128x128xf32, #tpu.memory_space<vmem>> -> memref<128x128xf32, #tpu.memory_space<vmem>>
    %dma_wait3A_695 = arith.constant 0 : i32
    %dma_wait3A_696 = tpu.memref_slice %arg9[%dma_wait3A_689, %dma_wait3A_695] : memref<8x128xi32, #tpu.memory_space<vmem>> -> memref<1x128xi32, #tpu.memory_space<vmem>>
    %dma_wait3A_697 = tpu.memref_squeeze %dma_wait3A_696 : memref<1x128xi32, #tpu.memory_space<vmem>> -> memref<128xi32, #tpu.memory_space<vmem>>
    %dma_wait3A_698 = arith.constant 0 : i32
    %dma_wait3A_699 = arith.constant 0 : i32
    %dma_wait3A_700 = tpu.memref_slice %arg3[%dma_wait3A_698, %dma_wait3A_699] : memref<784x128xf32, #tpu.memory_space<hbm>> -> memref<784x128xf32, #tpu.memory_space<hbm>>
    tpu.wait_indirect_dma semaphore(%arg14 : memref<!tpu.dma_semaphore, #tpu.memory_space<semaphore_mem>>) src(%dma_wait3A_700 : memref<784x128xf32, #tpu.memory_space<hbm>>) dst(%dma_wait3A_694 : memref<128x128xf32, #tpu.memory_space<vmem>>)
    %add3A_701 = arith.constant 768 : i32
    %add3A_702 = arith.addi %mul3A_2, %add3A_701 : i32
    %dma_start3A_703 = arith.constant 0 : i32
    %dma_start3A_704 = arith.constant 0 : i32
    %dma_start3A_705 = arith.constant 0 : i32
    %dma_start3A_706 = tpu.memref_slice %arg10[%dma_start3A_703, %dma_start3A_704, %dma_start3A_705] : memref<2x128x128xf32, #tpu.memory_space<vmem>> -> memref<1x128x128xf32, #tpu.memory_space<vmem>>
    %dma_start3A_707 = tpu.memref_squeeze %dma_start3A_706 : memref<1x128x128xf32, #tpu.memory_space<vmem>> -> memref<128x128xf32, #tpu.memory_space<vmem>>
    %dma_start3A_708 = arith.constant 0 : i32
    %dma_start3A_709 = tpu.memref_slice %arg6[%add3A_702, %dma_start3A_708] : memref<32768x128xf32, #tpu.memory_space<hbm>> -> memref<128x128xf32, #tpu.memory_space<hbm>>
    %dma_start3A_710 = arith.constant 0 : i32
    %dma_start3A_711 = tpu.memref_slice %arg6[%add3A_702, %dma_start3A_710] : memref<32768x128xf32, #tpu.memory_space<hbm>> -> memref<128x128xf32, #tpu.memory_space<hbm>>
    %dma_start3A_712 = arith.constant 0 : i32
    %dma_start3A_713 = arith.constant 0 : i32
    %dma_start3A_714 = tpu.memref_slice %arg10[%dma_start3A_703, %dma_start3A_712, %dma_start3A_713] : memref<2x128x128xf32, #tpu.memory_space<vmem>> -> memref<1x128x128xf32, #tpu.memory_space<vmem>>
    %dma_start3A_715 = tpu.memref_squeeze %dma_start3A_714 : memref<1x128x128xf32, #tpu.memory_space<vmem>> -> memref<128x128xf32, #tpu.memory_space<vmem>>
    tpu.enqueue_dma source(%dma_start3A_715 : memref<128x128xf32, #tpu.memory_space<vmem>>) target(%dma_start3A_711 : memref<128x128xf32, #tpu.memory_space<hbm>>) target_semaphore(%arg16 : memref<!tpu.dma_semaphore, #tpu.memory_space<semaphore_mem>>)
    %add3A_716 = arith.constant 768 : i32
    %add3A_717 = arith.addi %mul3A_2, %add3A_716 : i32
    %dma_start3A_718 = arith.constant 0 : i32
    %dma_start3A_719 = arith.constant 0 : i32
    %dma_start3A_720 = arith.constant 0 : i32
    %dma_start3A_721 = tpu.memref_slice %arg11[%dma_start3A_718, %dma_start3A_719, %dma_start3A_720] : memref<2x128x128xf32, #tpu.memory_space<vmem>> -> memref<1x128x128xf32, #tpu.memory_space<vmem>>
    %dma_start3A_722 = tpu.memref_squeeze %dma_start3A_721 : memref<1x128x128xf32, #tpu.memory_space<vmem>> -> memref<128x128xf32, #tpu.memory_space<vmem>>
    %dma_start3A_723 = arith.constant 0 : i32
    %dma_start3A_724 = tpu.memref_slice %arg7[%add3A_717, %dma_start3A_723] : memref<32768x128xf32, #tpu.memory_space<hbm>> -> memref<128x128xf32, #tpu.memory_space<hbm>>
    %dma_start3A_725 = arith.constant 0 : i32
    %dma_start3A_726 = tpu.memref_slice %arg7[%add3A_717, %dma_start3A_725] : memref<32768x128xf32, #tpu.memory_space<hbm>> -> memref<128x128xf32, #tpu.memory_space<hbm>>
    %dma_start3A_727 = arith.constant 0 : i32
    %dma_start3A_728 = arith.constant 0 : i32
    %dma_start3A_729 = tpu.memref_slice %arg11[%dma_start3A_718, %dma_start3A_727, %dma_start3A_728] : memref<2x128x128xf32, #tpu.memory_space<vmem>> -> memref<1x128x128xf32, #tpu.memory_space<vmem>>
    %dma_start3A_730 = tpu.memref_squeeze %dma_start3A_729 : memref<1x128x128xf32, #tpu.memory_space<vmem>> -> memref<128x128xf32, #tpu.memory_space<vmem>>
    tpu.enqueue_dma source(%dma_start3A_730 : memref<128x128xf32, #tpu.memory_space<vmem>>) target(%dma_start3A_726 : memref<128x128xf32, #tpu.memory_space<hbm>>) target_semaphore(%arg18 : memref<!tpu.dma_semaphore, #tpu.memory_space<semaphore_mem>>)
    %dma_wait3A_731 = arith.constant 7 : i32
    %dma_wait3A_732 = arith.constant 1 : i32
    %dma_wait3A_733 = arith.constant 0 : i32
    %dma_wait3A_734 = arith.constant 0 : i32
    %dma_wait3A_735 = tpu.memref_slice %arg10[%dma_wait3A_732, %dma_wait3A_733, %dma_wait3A_734] : memref<2x128x128xf32, #tpu.memory_space<vmem>> -> memref<1x128x128xf32, #tpu.memory_space<vmem>>
    %dma_wait3A_736 = tpu.memref_squeeze %dma_wait3A_735 : memref<1x128x128xf32, #tpu.memory_space<vmem>> -> memref<128x128xf32, #tpu.memory_space<vmem>>
    %dma_wait3A_737 = arith.constant 0 : i32
    %dma_wait3A_738 = tpu.memref_slice %arg8[%dma_wait3A_731, %dma_wait3A_737] : memref<8x128xi32, #tpu.memory_space<vmem>> -> memref<1x128xi32, #tpu.memory_space<vmem>>
    %dma_wait3A_739 = tpu.memref_squeeze %dma_wait3A_738 : memref<1x128xi32, #tpu.memory_space<vmem>> -> memref<128xi32, #tpu.memory_space<vmem>>
    %dma_wait3A_740 = arith.constant 0 : i32
    %dma_wait3A_741 = arith.constant 0 : i32
    %dma_wait3A_742 = tpu.memref_slice %arg2[%dma_wait3A_740, %dma_wait3A_741] : memref<802816x128xf32, #tpu.memory_space<hbm>> -> memref<802816x128xf32, #tpu.memory_space<hbm>>
    tpu.wait_indirect_dma semaphore(%arg13 : memref<!tpu.dma_semaphore, #tpu.memory_space<semaphore_mem>>) src(%dma_wait3A_742 : memref<802816x128xf32, #tpu.memory_space<hbm>>) dst(%dma_wait3A_736 : memref<128x128xf32, #tpu.memory_space<vmem>>)
    %dma_wait3A_743 = arith.constant 7 : i32
    %dma_wait3A_744 = arith.constant 1 : i32
    %dma_wait3A_745 = arith.constant 0 : i32
    %dma_wait3A_746 = arith.constant 0 : i32
    %dma_wait3A_747 = tpu.memref_slice %arg11[%dma_wait3A_744, %dma_wait3A_745, %dma_wait3A_746] : memref<2x128x128xf32, #tpu.memory_space<vmem>> -> memref<1x128x128xf32, #tpu.memory_space<vmem>>
    %dma_wait3A_748 = tpu.memref_squeeze %dma_wait3A_747 : memref<1x128x128xf32, #tpu.memory_space<vmem>> -> memref<128x128xf32, #tpu.memory_space<vmem>>
    %dma_wait3A_749 = arith.constant 0 : i32
    %dma_wait3A_750 = tpu.memref_slice %arg9[%dma_wait3A_743, %dma_wait3A_749] : memref<8x128xi32, #tpu.memory_space<vmem>> -> memref<1x128xi32, #tpu.memory_space<vmem>>
    %dma_wait3A_751 = tpu.memref_squeeze %dma_wait3A_750 : memref<1x128xi32, #tpu.memory_space<vmem>> -> memref<128xi32, #tpu.memory_space<vmem>>
    %dma_wait3A_752 = arith.constant 0 : i32
    %dma_wait3A_753 = arith.constant 0 : i32
    %dma_wait3A_754 = tpu.memref_slice %arg3[%dma_wait3A_752, %dma_wait3A_753] : memref<784x128xf32, #tpu.memory_space<hbm>> -> memref<784x128xf32, #tpu.memory_space<hbm>>
    tpu.wait_indirect_dma semaphore(%arg15 : memref<!tpu.dma_semaphore, #tpu.memory_space<semaphore_mem>>) src(%dma_wait3A_754 : memref<784x128xf32, #tpu.memory_space<hbm>>) dst(%dma_wait3A_748 : memref<128x128xf32, #tpu.memory_space<vmem>>)
    %add3A_755 = arith.constant 896 : i32
    %add3A_756 = arith.addi %mul3A_2, %add3A_755 : i32
    %dma_start3A_757 = arith.constant 1 : i32
    %dma_start3A_758 = arith.constant 0 : i32
    %dma_start3A_759 = arith.constant 0 : i32
    %dma_start3A_760 = tpu.memref_slice %arg10[%dma_start3A_757, %dma_start3A_758, %dma_start3A_759] : memref<2x128x128xf32, #tpu.memory_space<vmem>> -> memref<1x128x128xf32, #tpu.memory_space<vmem>>
    %dma_start3A_761 = tpu.memref_squeeze %dma_start3A_760 : memref<1x128x128xf32, #tpu.memory_space<vmem>> -> memref<128x128xf32, #tpu.memory_space<vmem>>
    %dma_start3A_762 = arith.constant 0 : i32
    %dma_start3A_763 = tpu.memref_slice %arg6[%add3A_756, %dma_start3A_762] : memref<32768x128xf32, #tpu.memory_space<hbm>> -> memref<128x128xf32, #tpu.memory_space<hbm>>
    %dma_start3A_764 = arith.constant 0 : i32
    %dma_start3A_765 = tpu.memref_slice %arg6[%add3A_756, %dma_start3A_764] : memref<32768x128xf32, #tpu.memory_space<hbm>> -> memref<128x128xf32, #tpu.memory_space<hbm>>
    %dma_start3A_766 = arith.constant 0 : i32
    %dma_start3A_767 = arith.constant 0 : i32
    %dma_start3A_768 = tpu.memref_slice %arg10[%dma_start3A_757, %dma_start3A_766, %dma_start3A_767] : memref<2x128x128xf32, #tpu.memory_space<vmem>> -> memref<1x128x128xf32, #tpu.memory_space<vmem>>
    %dma_start3A_769 = tpu.memref_squeeze %dma_start3A_768 : memref<1x128x128xf32, #tpu.memory_space<vmem>> -> memref<128x128xf32, #tpu.memory_space<vmem>>
    tpu.enqueue_dma source(%dma_start3A_769 : memref<128x128xf32, #tpu.memory_space<vmem>>) target(%dma_start3A_765 : memref<128x128xf32, #tpu.memory_space<hbm>>) target_semaphore(%arg17 : memref<!tpu.dma_semaphore, #tpu.memory_space<semaphore_mem>>)
    %add3A_770 = arith.constant 896 : i32
    %add3A_771 = arith.addi %mul3A_2, %add3A_770 : i32
    %dma_start3A_772 = arith.constant 1 : i32
    %dma_start3A_773 = arith.constant 0 : i32
    %dma_start3A_774 = arith.constant 0 : i32
    %dma_start3A_775 = tpu.memref_slice %arg11[%dma_start3A_772, %dma_start3A_773, %dma_start3A_774] : memref<2x128x128xf32, #tpu.memory_space<vmem>> -> memref<1x128x128xf32, #tpu.memory_space<vmem>>
    %dma_start3A_776 = tpu.memref_squeeze %dma_start3A_775 : memref<1x128x128xf32, #tpu.memory_space<vmem>> -> memref<128x128xf32, #tpu.memory_space<vmem>>
    %dma_start3A_777 = arith.constant 0 : i32
    %dma_start3A_778 = tpu.memref_slice %arg7[%add3A_771, %dma_start3A_777] : memref<32768x128xf32, #tpu.memory_space<hbm>> -> memref<128x128xf32, #tpu.memory_space<hbm>>
    %dma_start3A_779 = arith.constant 0 : i32
    %dma_start3A_780 = tpu.memref_slice %arg7[%add3A_771, %dma_start3A_779] : memref<32768x128xf32, #tpu.memory_space<hbm>> -> memref<128x128xf32, #tpu.memory_space<hbm>>
    %dma_start3A_781 = arith.constant 0 : i32
    %dma_start3A_782 = arith.constant 0 : i32
    %dma_start3A_783 = tpu.memref_slice %arg11[%dma_start3A_772, %dma_start3A_781, %dma_start3A_782] : memref<2x128x128xf32, #tpu.memory_space<vmem>> -> memref<1x128x128xf32, #tpu.memory_space<vmem>>
    %dma_start3A_784 = tpu.memref_squeeze %dma_start3A_783 : memref<1x128x128xf32, #tpu.memory_space<vmem>> -> memref<128x128xf32, #tpu.memory_space<vmem>>
    tpu.enqueue_dma source(%dma_start3A_784 : memref<128x128xf32, #tpu.memory_space<vmem>>) target(%dma_start3A_780 : memref<128x128xf32, #tpu.memory_space<hbm>>) target_semaphore(%arg19 : memref<!tpu.dma_semaphore, #tpu.memory_space<semaphore_mem>>)
    %dma_wait3A_785 = arith.constant 0 : i32
    %dma_wait3A_786 = arith.constant 0 : i32
    %dma_wait3A_787 = arith.constant 0 : i32
    %dma_wait3A_788 = tpu.memref_slice %arg10[%dma_wait3A_785, %dma_wait3A_786, %dma_wait3A_787] : memref<2x128x128xf32, #tpu.memory_space<vmem>> -> memref<1x128x128xf32, #tpu.memory_space<vmem>>
    %dma_wait3A_789 = tpu.memref_squeeze %dma_wait3A_788 : memref<1x128x128xf32, #tpu.memory_space<vmem>> -> memref<128x128xf32, #tpu.memory_space<vmem>>
    %dma_wait3A_790 = arith.constant 0 : i32
    %dma_wait3A_791 = tpu.memref_slice %arg6[%add3A_702, %dma_wait3A_790] : memref<32768x128xf32, #tpu.memory_space<hbm>> -> memref<128x128xf32, #tpu.memory_space<hbm>>
    %dma_wait3A_792 = arith.constant 0 : i32
    %dma_wait3A_793 = tpu.memref_slice %arg6[%add3A_702, %dma_wait3A_792] : memref<32768x128xf32, #tpu.memory_space<hbm>> -> memref<128x128xf32, #tpu.memory_space<hbm>>
    %dma_wait3A_794 = arith.constant 0 : i32
    %dma_wait3A_795 = arith.constant 0 : i32
    %dma_wait3A_796 = tpu.memref_slice %arg10[%dma_wait3A_785, %dma_wait3A_794, %dma_wait3A_795] : memref<2x128x128xf32, #tpu.memory_space<vmem>> -> memref<1x128x128xf32, #tpu.memory_space<vmem>>
    %dma_wait3A_797 = tpu.memref_squeeze %dma_wait3A_796 : memref<1x128x128xf32, #tpu.memory_space<vmem>> -> memref<128x128xf32, #tpu.memory_space<vmem>>
    tpu.wait_dma2 semaphore(%arg16 : memref<!tpu.dma_semaphore, #tpu.memory_space<semaphore_mem>>) src(%dma_wait3A_797 : memref<128x128xf32, #tpu.memory_space<vmem>>) dst(%dma_wait3A_793 : memref<128x128xf32, #tpu.memory_space<hbm>>)
    %dma_wait3A_798 = arith.constant 0 : i32
    %dma_wait3A_799 = arith.constant 0 : i32
    %dma_wait3A_800 = arith.constant 0 : i32
    %dma_wait3A_801 = tpu.memref_slice %arg11[%dma_wait3A_798, %dma_wait3A_799, %dma_wait3A_800] : memref<2x128x128xf32, #tpu.memory_space<vmem>> -> memref<1x128x128xf32, #tpu.memory_space<vmem>>
    %dma_wait3A_802 = tpu.memref_squeeze %dma_wait3A_801 : memref<1x128x128xf32, #tpu.memory_space<vmem>> -> memref<128x128xf32, #tpu.memory_space<vmem>>
    %dma_wait3A_803 = arith.constant 0 : i32
    %dma_wait3A_804 = tpu.memref_slice %arg7[%add3A_717, %dma_wait3A_803] : memref<32768x128xf32, #tpu.memory_space<hbm>> -> memref<128x128xf32, #tpu.memory_space<hbm>>
    %dma_wait3A_805 = arith.constant 0 : i32
    %dma_wait3A_806 = tpu.memref_slice %arg7[%add3A_717, %dma_wait3A_805] : memref<32768x128xf32, #tpu.memory_space<hbm>> -> memref<128x128xf32, #tpu.memory_space<hbm>>
    %dma_wait3A_807 = arith.constant 0 : i32
    %dma_wait3A_808 = arith.constant 0 : i32
    %dma_wait3A_809 = tpu.memref_slice %arg11[%dma_wait3A_798, %dma_wait3A_807, %dma_wait3A_808] : memref<2x128x128xf32, #tpu.memory_space<vmem>> -> memref<1x128x128xf32, #tpu.memory_space<vmem>>
    %dma_wait3A_810 = tpu.memref_squeeze %dma_wait3A_809 : memref<1x128x128xf32, #tpu.memory_space<vmem>> -> memref<128x128xf32, #tpu.memory_space<vmem>>
    tpu.wait_dma2 semaphore(%arg18 : memref<!tpu.dma_semaphore, #tpu.memory_space<semaphore_mem>>) src(%dma_wait3A_810 : memref<128x128xf32, #tpu.memory_space<vmem>>) dst(%dma_wait3A_806 : memref<128x128xf32, #tpu.memory_space<hbm>>)
    %dma_wait3A_811 = arith.constant 1 : i32
    %dma_wait3A_812 = arith.constant 0 : i32
    %dma_wait3A_813 = arith.constant 0 : i32
    %dma_wait3A_814 = tpu.memref_slice %arg10[%dma_wait3A_811, %dma_wait3A_812, %dma_wait3A_813] : memref<2x128x128xf32, #tpu.memory_space<vmem>> -> memref<1x128x128xf32, #tpu.memory_space<vmem>>
    %dma_wait3A_815 = tpu.memref_squeeze %dma_wait3A_814 : memref<1x128x128xf32, #tpu.memory_space<vmem>> -> memref<128x128xf32, #tpu.memory_space<vmem>>
    %dma_wait3A_816 = arith.constant 0 : i32
    %dma_wait3A_817 = tpu.memref_slice %arg6[%add3A_756, %dma_wait3A_816] : memref<32768x128xf32, #tpu.memory_space<hbm>> -> memref<128x128xf32, #tpu.memory_space<hbm>>
    %dma_wait3A_818 = arith.constant 0 : i32
    %dma_wait3A_819 = tpu.memref_slice %arg6[%add3A_756, %dma_wait3A_818] : memref<32768x128xf32, #tpu.memory_space<hbm>> -> memref<128x128xf32, #tpu.memory_space<hbm>>
    %dma_wait3A_820 = arith.constant 0 : i32
    %dma_wait3A_821 = arith.constant 0 : i32
    %dma_wait3A_822 = tpu.memref_slice %arg10[%dma_wait3A_811, %dma_wait3A_820, %dma_wait3A_821] : memref<2x128x128xf32, #tpu.memory_space<vmem>> -> memref<1x128x128xf32, #tpu.memory_space<vmem>>
    %dma_wait3A_823 = tpu.memref_squeeze %dma_wait3A_822 : memref<1x128x128xf32, #tpu.memory_space<vmem>> -> memref<128x128xf32, #tpu.memory_space<vmem>>
    tpu.wait_dma2 semaphore(%arg17 : memref<!tpu.dma_semaphore, #tpu.memory_space<semaphore_mem>>) src(%dma_wait3A_823 : memref<128x128xf32, #tpu.memory_space<vmem>>) dst(%dma_wait3A_819 : memref<128x128xf32, #tpu.memory_space<hbm>>)
    %dma_wait3A_824 = arith.constant 1 : i32
    %dma_wait3A_825 = arith.constant 0 : i32
    %dma_wait3A_826 = arith.constant 0 : i32
    %dma_wait3A_827 = tpu.memref_slice %arg11[%dma_wait3A_824, %dma_wait3A_825, %dma_wait3A_826] : memref<2x128x128xf32, #tpu.memory_space<vmem>> -> memref<1x128x128xf32, #tpu.memory_space<vmem>>
    %dma_wait3A_828 = tpu.memref_squeeze %dma_wait3A_827 : memref<1x128x128xf32, #tpu.memory_space<vmem>> -> memref<128x128xf32, #tpu.memory_space<vmem>>
    %dma_wait3A_829 = arith.constant 0 : i32
    %dma_wait3A_830 = tpu.memref_slice %arg7[%add3A_771, %dma_wait3A_829] : memref<32768x128xf32, #tpu.memory_space<hbm>> -> memref<128x128xf32, #tpu.memory_space<hbm>>
    %dma_wait3A_831 = arith.constant 0 : i32
    %dma_wait3A_832 = tpu.memref_slice %arg7[%add3A_771, %dma_wait3A_831] : memref<32768x128xf32, #tpu.memory_space<hbm>> -> memref<128x128xf32, #tpu.memory_space<hbm>>
    %dma_wait3A_833 = arith.constant 0 : i32
    %dma_wait3A_834 = arith.constant 0 : i32
    %dma_wait3A_835 = tpu.memref_slice %arg11[%dma_wait3A_824, %dma_wait3A_833, %dma_wait3A_834] : memref<2x128x128xf32, #tpu.memory_space<vmem>> -> memref<1x128x128xf32, #tpu.memory_space<vmem>>
    %dma_wait3A_836 = tpu.memref_squeeze %dma_wait3A_835 : memref<1x128x128xf32, #tpu.memory_space<vmem>> -> memref<128x128xf32, #tpu.memory_space<vmem>>
    tpu.wait_dma2 semaphore(%arg19 : memref<!tpu.dma_semaphore, #tpu.memory_space<semaphore_mem>>) src(%dma_wait3A_836 : memref<128x128xf32, #tpu.memory_space<vmem>>) dst(%dma_wait3A_832 : memref<128x128xf32, #tpu.memory_space<hbm>>)
    return
  }
}

module attributes {stable_mosaic.version = 14 : i64} {
  func.func @_s1_body(%arg0: i32, %arg1: i32, %arg2: memref<1024x128xf32, #tpu.memory_space<vmem>>, %arg3: memref<2048x128xf32, #tpu.memory_space<vmem>>, %arg4: memref<1x2048xf32, #tpu.memory_space<vmem>>, %arg5: memref<1024x2048xf32, #tpu.memory_space<vmem>>, %arg6: memref<1024x1x1x16xf32, #tpu.memory_space<vmem>>) attributes {dimension_semantics = [#tpu.dimension_semantics<arbitrary>, #tpu.dimension_semantics<arbitrary>], iteration_bounds = array<i64: 1, 49>, scalar_prefetch = 0 : i64, scratch_operands = 0 : i64, tpu.core_type = #tpu.core_type<tc>, window_params = [{transform_indices = @transform_0, window_bounds = array<i64: 1024, 128>}, {transform_indices = @transform_1, window_bounds = array<i64: 2048, 128>}, {transform_indices = @transform_2, window_bounds = array<i64: 1, 2048>}, {transform_indices = @transform_3, window_bounds = array<i64: 1024, 2048>}, {transform_indices = @transform_4, window_bounds = array<i64: 1024, 1, 1, 16>}]} {
    %get3A = arith.constant 0 : index
    %get3A_0 = arith.constant 0 : index
    %get3A_1 = vector.load %arg2[%get3A, %get3A_0] : memref<1024x128xf32, #tpu.memory_space<vmem>>, vector<1024x128xf32>
    %get3A_2 = arith.constant 0 : index
    %get3A_3 = arith.constant 0 : index
    %get3A_4 = vector.load %arg3[%get3A_2, %get3A_3] : memref<2048x128xf32, #tpu.memory_space<vmem>>, vector<2048x128xf32>
    %mul3A = arith.constant -2.000000e+00 : f32
    %mul3A_5 = vector.broadcast %mul3A : f32 to vector<1024x128xf32>
    %mul3A_6 = arith.mulf %get3A_1, %mul3A_5 : vector<1024x128xf32>
    %dot_general3A = arith.constant dense<0.000000e+00> : vector<1024x2048xf32>
    %dot_general3A_7 = tpu.matmul %mul3A_6, %get3A_4, %dot_general3A {dimension_numbers = #tpu.dot_dimension_numbers<[1], [1], [0], [0], [0, 0, 1, 0], [], []>, transpose_lhs_hint = false} : vector<1024x128xf32>, vector<2048x128xf32>, vector<1024x2048xf32> -> vector<1024x2048xf32>
    %mul3A_8 = arith.mulf %get3A_1, %get3A_1 : vector<1024x128xf32>
    %reduce_sum3A = arith.constant dense<0.000000e+00> : vector<1024xf32>
    %reduce_sum3A_9 = vector.multi_reduction <add>, %mul3A_8, %reduce_sum3A [1] : vector<1024x128xf32> to vector<1024xf32>
    %broadcast_in_dim3A = vector.shape_cast %reduce_sum3A_9 : vector<1024xf32> to vector<1024x1xf32>
    %add3A = vector.broadcast %broadcast_in_dim3A : vector<1024x1xf32> to vector<1024x2048xf32>
    %add3A_10 = arith.addf %add3A, %dot_general3A_7 : vector<1024x2048xf32>
    %get3A_11 = arith.constant 0 : index
    %get3A_12 = arith.constant 0 : index
    %get3A_13 = vector.load %arg4[%get3A_11, %get3A_12] : memref<1x2048xf32, #tpu.memory_space<vmem>>, vector<1x2048xf32>
    %add3A_14 = vector.broadcast %get3A_13 : vector<1x2048xf32> to vector<1024x2048xf32>
    %add3A_15 = arith.addf %add3A_10, %add3A_14 : vector<1024x2048xf32>
    %swap3A = arith.constant 0 : index
    %swap3A_16 = arith.constant 0 : index
    %swap3A_17 = vector.load %arg5[%swap3A, %swap3A_16] : memref<1024x2048xf32, #tpu.memory_space<vmem>>, vector<1024x2048xf32>
    tpu.vector_store %arg5[%swap3A, %swap3A_16], %add3A_15 {strides = array<i32>} : memref<1024x2048xf32, #tpu.memory_space<vmem>>, vector<1024x2048xf32>,
    %reshape3A = vector.shape_cast %add3A_15 : vector<1024x2048xf32> to vector<1024x16x128xf32>
    %reduce_min3A = arith.constant dense<0x7F800000> : vector<1024x16xf32>
    %reduce_min3A_18 = vector.multi_reduction <minimumf>, %reshape3A, %reduce_min3A [2] : vector<1024x16x128xf32> to vector<1024x16xf32>
    %reshape3A_19 = vector.shape_cast %reduce_min3A_18 : vector<1024x16xf32> to vector<1024x1x1x16xf32>
    %swap3A_20 = arith.constant 0 : index
    %swap3A_21 = arith.constant 0 : index
    %swap3A_22 = arith.constant 0 : index
    %swap3A_23 = arith.constant 0 : index
    %swap3A_24 = vector.load %arg6[%swap3A_20, %swap3A_21, %swap3A_22, %swap3A_23] : memref<1024x1x1x16xf32, #tpu.memory_space<vmem>>, vector<1024x1x1x16xf32>
    tpu.vector_store %arg6[%swap3A_20, %swap3A_21, %swap3A_22, %swap3A_23], %reshape3A_19 {strides = array<i32>} : memref<1024x1x1x16xf32, #tpu.memory_space<vmem>>, vector<1024x1x1x16xf32>,
    return
  }
  func.func @transform_0(%arg0: i32, %arg1: i32) -> (i32, i32) {
    %c0_i32 = arith.constant 0 : i32
    %c0_i32_0 = arith.constant 0 : i32
    return %arg0, %c0_i32 : i32, i32
  }
  func.func @transform_1(%arg0: i32, %arg1: i32) -> (i32, i32) {
    %c0_i32 = arith.constant 0 : i32
    %c0_i32_0 = arith.constant 0 : i32
    return %arg1, %c0_i32 : i32, i32
  }
  func.func @transform_2(%arg0: i32, %arg1: i32) -> (i32, i32) {
    %c0_i32 = arith.constant 0 : i32
    %c0_i32_0 = arith.constant 0 : i32
    return %c0_i32, %arg1 : i32, i32
  }
  func.func @transform_3(%arg0: i32, %arg1: i32) -> (i32, i32) {
    %c0_i32 = arith.constant 0 : i32
    return %arg0, %arg1 : i32, i32
  }
  func.func @transform_4(%arg0: i32, %arg1: i32) -> (i32, i32, i32, i32) {
    %c0_i32 = arith.constant 0 : i32
    %c0_i32_0 = arith.constant 0 : i32
    %c0_i32_1 = arith.constant 0 : i32
    return %arg0, %arg1, %c0_i32, %c0_i32_0 : i32, i32, i32, i32
  }
}

module attributes {stable_mosaic.version = 14 : i64} {
  func.func @_s2_body(%arg0: i32, %arg1: memref<256x896xf32, #tpu.memory_space<vmem>>, %arg2: memref<256x32xi32, #tpu.memory_space<vmem>>, %arg3: memref<256x32xi32, #tpu.memory_space<vmem>>) attributes {dimension_semantics = [#tpu.dimension_semantics<arbitrary>], iteration_bounds = array<i64: 4>, scalar_prefetch = 0 : i64, scratch_operands = 0 : i64, tpu.core_type = #tpu.core_type<tc>, window_params = [{transform_indices = @transform_0, window_bounds = array<i64: 256, 896>}, {transform_indices = @transform_1, window_bounds = array<i64: 256, 32>}, {transform_indices = @transform_2, window_bounds = array<i64: 256, 32>}]} {
    %iota3A = tpu.iota {dimensions = array<i32: 1>} : vector<256x896xi32>
    %iota3A_0 = tpu.iota {dimensions = array<i32: 1>} : vector<256x32xi32>
    %get3A = arith.constant 0 : index
    %get3A_1 = arith.constant 0 : index
    %get3A_2 = vector.load %arg1[%get3A, %get3A_1] : memref<256x896xf32, #tpu.memory_space<vmem>>, vector<256x896xf32>
    %broadcast_in_dim3A = arith.constant 0 : i32
    %broadcast_in_dim3A_3 = vector.broadcast %broadcast_in_dim3A : i32 to vector<256x32xi32>
    %scan3A = arith.constant 0 : i32
    %scan3A_4 = arith.constant 32 : i32
    %scan3A_5 = arith.addi %scan3A, %scan3A_4 : i32
    %scan3A_6 = arith.constant 1 : i32
    %scan3A_7:2 = scf.for %scan3A_21 = %scan3A to %scan3A_5 step %scan3A_6 iter_args(%scan3A_22 = %get3A_2, %scan3A_23 = %broadcast_in_dim3A_3) -> (vector<256x896xf32>, vector<256x32xi32>)  : i32 {
      %reduce_min3A = arith.constant dense<0x7F800000> : vector<256xf32>
      %reduce_min3A_24 = vector.multi_reduction <minimumf>, %scan3A_22, %reduce_min3A [1] : vector<256x896xf32> to vector<256xf32>
      %broadcast_in_dim3A_25 = vector.shape_cast %reduce_min3A_24 : vector<256xf32> to vector<256x1xf32>
      %eq3A = vector.broadcast %broadcast_in_dim3A_25 : vector<256x1xf32> to vector<256x896xf32>
      %eq3A_26 = arith.cmpf oeq, %scan3A_22, %eq3A : vector<256x896xf32>
      %jit3A = arith.constant 1073741824 : i32
      %broadcast_in_dim3A_27 = vector.broadcast %jit3A : i32 to vector<256x896xi32>
      %select_n3A = arith.select %eq3A_26, %iota3A, %broadcast_in_dim3A_27 : vector<256x896xi1>, vector<256x896xi32>
      %reduce_min3A_28 = arith.constant dense<2147483647> : vector<256xi32>
      %reduce_min3A_29 = vector.multi_reduction <minsi>, %select_n3A, %reduce_min3A_28 [1] : vector<256x896xi32> to vector<256xi32>
      %broadcast_in_dim3A_30 = vector.shape_cast %reduce_min3A_29 : vector<256xi32> to vector<256x1xi32>
      %eq3A_31 = vector.broadcast %scan3A_21 : i32 to vector<256x32xi32>
      %eq3A_32 = arith.cmpi eq, %iota3A_0, %eq3A_31 : vector<256x32xi32>
      %broadcast_in_dim3A_33 = vector.shape_cast %broadcast_in_dim3A_30 : vector<256x1xi32> to vector<256x1xi32>
      %broadcast_in_dim3A_34 = vector.broadcast %broadcast_in_dim3A_33 : vector<256x1xi32> to vector<256x32xi32>
      %select_n3A_35 = arith.select %eq3A_32, %broadcast_in_dim3A_34, %scan3A_23 : vector<256x32xi1>, vector<256x32xi32>
      %eq3A_36 = vector.broadcast %broadcast_in_dim3A_30 : vector<256x1xi32> to vector<256x896xi32>
      %eq3A_37 = arith.cmpi eq, %iota3A, %eq3A_36 : vector<256x896xi32>
      %jit3A_38 = arith.constant 1.000000e+30 : f32
      %broadcast_in_dim3A_39 = vector.broadcast %jit3A_38 : f32 to vector<256x896xf32>
      %select_n3A_40 = arith.select %eq3A_37, %broadcast_in_dim3A_39, %scan3A_22 : vector<256x896xi1>, vector<256x896xf32>
      scf.yield %select_n3A_40, %select_n3A_35 : vector<256x896xf32>, vector<256x32xi32>
    }
    %scan3A_8 = arith.constant 32 : i32
    %mul3A = arith.constant 256 : i32
    %mul3A_9 = arith.muli %arg0, %mul3A : i32
    %iota3A_10 = tpu.iota {dimensions = array<i32: 0>} : vector<256x32xi32>
    %add3A = vector.broadcast %mul3A_9 : i32 to vector<256x32xi32>
    %add3A_11 = arith.addi %add3A, %iota3A_10 : vector<256x32xi32>
    %swap3A = arith.constant 0 : index
    %swap3A_12 = arith.constant 0 : index
    %swap3A_13 = vector.load %arg2[%swap3A, %swap3A_12] : memref<256x32xi32, #tpu.memory_space<vmem>>, vector<256x32xi32>
    tpu.vector_store %arg2[%swap3A, %swap3A_12], %scan3A_7#1 {strides = array<i32>} : memref<256x32xi32, #tpu.memory_space<vmem>>, vector<256x32xi32>,
    %mul3A_14 = arith.constant 784 : i32
    %mul3A_15 = vector.broadcast %mul3A_14 : i32 to vector<256x32xi32>
    %mul3A_16 = arith.muli %add3A_11, %mul3A_15 : vector<256x32xi32>
    %add3A_17 = arith.addi %mul3A_16, %scan3A_7#1 : vector<256x32xi32>
    %swap3A_18 = arith.constant 0 : index
    %swap3A_19 = arith.constant 0 : index
    %swap3A_20 = vector.load %arg3[%swap3A_18, %swap3A_19] : memref<256x32xi32, #tpu.memory_space<vmem>>, vector<256x32xi32>
    tpu.vector_store %arg3[%swap3A_18, %swap3A_19], %add3A_17 {strides = array<i32>} : memref<256x32xi32, #tpu.memory_space<vmem>>, vector<256x32xi32>,
    return
  }
  func.func @transform_0(%arg0: i32) -> (i32, i32) {
    %c0_i32 = arith.constant 0 : i32
    %c0_i32_0 = arith.constant 0 : i32
    return %arg0, %c0_i32 : i32, i32
  }
  func.func @transform_1(%arg0: i32) -> (i32, i32) {
    %c0_i32 = arith.constant 0 : i32
    %c0_i32_0 = arith.constant 0 : i32
    return %arg0, %c0_i32 : i32, i32
  }
  func.func @transform_2(%arg0: i32) -> (i32, i32) {
    %c0_i32 = arith.constant 0 : i32
    %c0_i32_0 = arith.constant 0 : i32
    return %arg0, %c0_i32 : i32, i32
  }
}

module attributes {stable_mosaic.version = 14 : i64} {
  func.func @_s4_body(%arg0: i32, %arg1: memref<256x4096xf32, #tpu.memory_space<vmem>>, %arg2: memref<256x4096xf32, #tpu.memory_space<vmem>>, %arg3: memref<256x32xi32, #tpu.memory_space<vmem>>, %arg4: memref<256x1xf32, #tpu.memory_space<vmem>>, %arg5: memref<64x32xf32, #tpu.memory_space<vmem>>, %arg6: memref<1x32xf32, #tpu.memory_space<vmem>>, %arg7: memref<32x33xf32, #tpu.memory_space<vmem>>, %arg8: memref<1x33xf32, #tpu.memory_space<vmem>>, %arg9: memref<256x1xf32, #tpu.memory_space<vmem>>) attributes {dimension_semantics = [#tpu.dimension_semantics<arbitrary>], iteration_bounds = array<i64: 4>, scalar_prefetch = 0 : i64, scratch_operands = 0 : i64, tpu.core_type = #tpu.core_type<tc>, window_params = [{transform_indices = @transform_0, window_bounds = array<i64: 256, 4096>}, {transform_indices = @transform_1, window_bounds = array<i64: 256, 4096>}, {transform_indices = @transform_2, window_bounds = array<i64: 256, 32>}, {transform_indices = @transform_3, window_bounds = array<i64: 256, 1>}, {pipeline_mode = #tpu.pipeline_mode<synchronous>, transform_indices = @transform_4, window_bounds = array<i64: 64, 32>}, {pipeline_mode = #tpu.pipeline_mode<synchronous>, transform_indices = @transform_5, window_bounds = array<i64: 1, 32>}, {pipeline_mode = #tpu.pipeline_mode<synchronous>, transform_indices = @transform_6, window_bounds = array<i64: 32, 33>}, {pipeline_mode = #tpu.pipeline_mode<synchronous>, transform_indices = @transform_7, window_bounds = array<i64: 1, 33>}, {transform_indices = @transform_8, window_bounds = array<i64: 256, 1>}]} {
    %get3A = arith.constant 0 : index
    %get3A_0 = arith.constant 0 : index
    %get3A_1 = vector.load %arg1[%get3A, %get3A_0] : memref<256x4096xf32, #tpu.memory_space<vmem>>, vector<256x4096xf32>
    %get3A_2 = arith.constant 0 : index
    %get3A_3 = arith.constant 0 : index
    %get3A_4 = vector.load %arg2[%get3A_2, %get3A_3] : memref<256x4096xf32, #tpu.memory_space<vmem>>, vector<256x4096xf32>
    %get3A_5 = arith.constant 0 : index
    %get3A_6 = arith.constant 0 : index
    %get3A_7 = vector.load %arg3[%get3A_5, %get3A_6] : memref<256x32xi32, #tpu.memory_space<vmem>>, vector<256x32xi32>
    %iota3A = tpu.iota {dimensions = array<i32: 2>} : vector<256x32x128xi32>
    %broadcast_in_dim3A = vector.shape_cast %get3A_7 : vector<256x32xi32> to vector<256x32x1xi32>
    %mul3A = arith.constant 128 : i32
    %mul3A_8 = vector.broadcast %mul3A : i32 to vector<256x32x1xi32>
    %mul3A_9 = arith.muli %broadcast_in_dim3A, %mul3A_8 : vector<256x32x1xi32>
    %add3A = vector.broadcast %mul3A_9 : vector<256x32x1xi32> to vector<256x32x128xi32>
    %add3A_10 = arith.addi %add3A, %iota3A : vector<256x32x128xi32>
    %reshape3A = vector.shape_cast %add3A_10 : vector<256x32x128xi32> to vector<256x4096xi32>
    %iota3A_11 = tpu.iota {dimensions = array<i32: 1>} : vector<256x32xi32>
    %broadcast_in_dim3A_12 = arith.constant 0.000000e+00 : f32
    %broadcast_in_dim3A_13 = vector.broadcast %broadcast_in_dim3A_12 : f32 to vector<256x32xf32>
    %scan3A = arith.constant 0 : i32
    %scan3A_14 = arith.constant 32 : i32
    %scan3A_15 = arith.addi %scan3A, %scan3A_14 : i32
    %scan3A_16 = arith.constant 1 : i32
    %scan3A_17:3 = scf.for %scan3A_56 = %scan3A to %scan3A_15 step %scan3A_16 iter_args(%scan3A_57 = %get3A_1, %scan3A_58 = %broadcast_in_dim3A_13, %scan3A_59 = %broadcast_in_dim3A_13) -> (vector<256x4096xf32>, vector<256x32xf32>, vector<256x32xf32>)  : i32 {
      %reduce_min3A = arith.constant dense<0x7F800000> : vector<256xf32>
      %reduce_min3A_60 = vector.multi_reduction <minimumf>, %scan3A_57, %reduce_min3A [1] : vector<256x4096xf32> to vector<256xf32>
      %broadcast_in_dim3A_61 = vector.shape_cast %reduce_min3A_60 : vector<256xf32> to vector<256x1xf32>
      %eq3A = vector.broadcast %broadcast_in_dim3A_61 : vector<256x1xf32> to vector<256x4096xf32>
      %eq3A_62 = arith.cmpf oeq, %scan3A_57, %eq3A : vector<256x4096xf32>
      %jit3A = arith.constant 1073741824 : i32
      %broadcast_in_dim3A_63 = vector.broadcast %jit3A : i32 to vector<256x4096xi32>
      %select_n3A = arith.select %eq3A_62, %reshape3A, %broadcast_in_dim3A_63 : vector<256x4096xi1>, vector<256x4096xi32>
      %reduce_min3A_64 = arith.constant dense<2147483647> : vector<256xi32>
      %reduce_min3A_65 = vector.multi_reduction <minsi>, %select_n3A, %reduce_min3A_64 [1] : vector<256x4096xi32> to vector<256xi32>
      %broadcast_in_dim3A_66 = vector.shape_cast %reduce_min3A_65 : vector<256xi32> to vector<256x1xi32>
      %eq3A_67 = vector.broadcast %broadcast_in_dim3A_66 : vector<256x1xi32> to vector<256x4096xi32>
      %eq3A_68 = arith.cmpi eq, %reshape3A, %eq3A_67 : vector<256x4096xi32>
      %jit3A_69 = arith.constant 0.000000e+00 : f32
      %broadcast_in_dim3A_70 = vector.broadcast %jit3A_69 : f32 to vector<256x4096xf32>
      %select_n3A_71 = arith.select %eq3A_68, %get3A_4, %broadcast_in_dim3A_70 : vector<256x4096xi1>, vector<256x4096xf32>
      %reduce_sum3A_72 = arith.constant dense<0.000000e+00> : vector<256xf32>
      %reduce_sum3A_73 = vector.multi_reduction <add>, %select_n3A_71, %reduce_sum3A_72 [1] : vector<256x4096xf32> to vector<256xf32>
      %broadcast_in_dim3A_74 = vector.shape_cast %reduce_sum3A_73 : vector<256xf32> to vector<256x1xf32>
      %eq3A_75 = vector.broadcast %scan3A_56 : i32 to vector<256x32xi32>
      %eq3A_76 = arith.cmpi eq, %iota3A_11, %eq3A_75 : vector<256x32xi32>
      %broadcast_in_dim3A_77 = vector.shape_cast %broadcast_in_dim3A_61 : vector<256x1xf32> to vector<256x1xf32>
      %broadcast_in_dim3A_78 = vector.broadcast %broadcast_in_dim3A_77 : vector<256x1xf32> to vector<256x32xf32>
      %select_n3A_79 = arith.select %eq3A_76, %broadcast_in_dim3A_78, %scan3A_58 : vector<256x32xi1>, vector<256x32xf32>
      %eq3A_80 = vector.broadcast %scan3A_56 : i32 to vector<256x32xi32>
      %eq3A_81 = arith.cmpi eq, %iota3A_11, %eq3A_80 : vector<256x32xi32>
      %broadcast_in_dim3A_82 = vector.shape_cast %broadcast_in_dim3A_74 : vector<256x1xf32> to vector<256x1xf32>
      %broadcast_in_dim3A_83 = vector.broadcast %broadcast_in_dim3A_82 : vector<256x1xf32> to vector<256x32xf32>
      %select_n3A_84 = arith.select %eq3A_81, %broadcast_in_dim3A_83, %scan3A_59 : vector<256x32xi1>, vector<256x32xf32>
      %jit3A_85 = arith.constant 1.000000e+30 : f32
      %broadcast_in_dim3A_86 = vector.broadcast %jit3A_85 : f32 to vector<256x4096xf32>
      %select_n3A_87 = arith.select %eq3A_68, %broadcast_in_dim3A_86, %scan3A_57 : vector<256x4096xi1>, vector<256x4096xf32>
      scf.yield %select_n3A_87, %select_n3A_79, %select_n3A_84 : vector<256x4096xf32>, vector<256x32xf32>, vector<256x32xf32>
    }
    %scan3A_18 = arith.constant 32 : i32
    %concatenate3A = tpu.concatenate %scan3A_17#1, %scan3A_17#2 in 1 : vector<256x32xf32>, vector<256x32xf32> -> vector<256x64xf32>
    %get3A_19 = arith.constant 0 : index
    %get3A_20 = arith.constant 0 : index
    %get3A_21 = vector.load %arg5[%get3A_19, %get3A_20] : memref<64x32xf32, #tpu.memory_space<vmem>>, vector<64x32xf32>
    %dot_general3A = arith.constant dense<0.000000e+00> : vector<256x32xf32>
    %dot_general3A_22 = tpu.matmul %concatenate3A, %get3A_21, %dot_general3A {dimension_numbers = #tpu.dot_dimension_numbers<[1], [0], [0], [1], [0, 0, 1, 1], [], []>, transpose_lhs_hint = false} : vector<256x64xf32>, vector<64x32xf32>, vector<256x32xf32> -> vector<256x32xf32>
    %get3A_23 = arith.constant 0 : index
    %get3A_24 = arith.constant 0 : index
    %get3A_25 = vector.load %arg6[%get3A_23, %get3A_24] : memref<1x32xf32, #tpu.memory_space<vmem>>, vector<1x32xf32>
    %add3A_26 = vector.broadcast %get3A_25 : vector<1x32xf32> to vector<256x32xf32>
    %add3A_27 = arith.addf %dot_general3A_22, %add3A_26 : vector<256x32xf32>
    %max3A = arith.constant 0.000000e+00 : f32
    %max3A_28 = vector.broadcast %max3A : f32 to vector<256x32xf32>
    %max3A_29 = arith.maximumf %add3A_27, %max3A_28 : vector<256x32xf32>
    %get3A_30 = arith.constant 0 : index
    %get3A_31 = arith.constant 0 : index
    %get3A_32 = vector.load %arg7[%get3A_30, %get3A_31] : memref<32x33xf32, #tpu.memory_space<vmem>>, vector<32x33xf32>
    %dot_general3A_33 = arith.constant dense<0.000000e+00> : vector<256x33xf32>
    %dot_general3A_34 = tpu.matmul %max3A_29, %get3A_32, %dot_general3A_33 {dimension_numbers = #tpu.dot_dimension_numbers<[1], [0], [0], [1], [0, 0, 1, 1], [], []>, transpose_lhs_hint = false} : vector<256x32xf32>, vector<32x33xf32>, vector<256x33xf32> -> vector<256x33xf32>
    %get3A_35 = arith.constant 0 : index
    %get3A_36 = arith.constant 0 : index
    %get3A_37 = vector.load %arg8[%get3A_35, %get3A_36] : memref<1x33xf32, #tpu.memory_space<vmem>>, vector<1x33xf32>
    %add3A_38 = vector.broadcast %get3A_37 : vector<1x33xf32> to vector<256x33xf32>
    %add3A_39 = arith.addf %dot_general3A_34, %add3A_38 : vector<256x33xf32>
    %reduce_max3A = arith.constant dense<0xFF800000> : vector<256xf32>
    %reduce_max3A_40 = vector.multi_reduction <maximumf>, %add3A_39, %reduce_max3A [1] : vector<256x33xf32> to vector<256xf32>
    %broadcast_in_dim3A_41 = vector.shape_cast %reduce_max3A_40 : vector<256xf32> to vector<256x1xf32>
    %sub3A = vector.broadcast %broadcast_in_dim3A_41 : vector<256x1xf32> to vector<256x33xf32>
    %sub3A_42 = arith.subf %add3A_39, %sub3A : vector<256x33xf32>
    %exp3A = math.exp %sub3A_42 : vector<256x33xf32>
    %reduce_sum3A = arith.constant dense<0.000000e+00> : vector<256xf32>
    %reduce_sum3A_43 = vector.multi_reduction <add>, %exp3A, %reduce_sum3A [1] : vector<256x33xf32> to vector<256xf32>
    %broadcast_in_dim3A_44 = vector.shape_cast %reduce_sum3A_43 : vector<256xf32> to vector<256x1xf32>
    %div3A = vector.broadcast %broadcast_in_dim3A_44 : vector<256x1xf32> to vector<256x33xf32>
    %div3A_45 = arith.divf %exp3A, %div3A : vector<256x33xf32>
    %get3A_46 = arith.constant 0 : index
    %get3A_47 = arith.constant 0 : index
    %get3A_48 = vector.load %arg4[%get3A_46, %get3A_47] : memref<256x1xf32, #tpu.memory_space<vmem>>, vector<256x1xf32>
    %concatenate3A_49 = tpu.concatenate %get3A_48, %scan3A_17#2 in 1 : vector<256x1xf32>, vector<256x32xf32> -> vector<256x33xf32>
    %mul3A_50 = arith.mulf %div3A_45, %concatenate3A_49 : vector<256x33xf32>
    %reduce_sum3A_51 = arith.constant dense<0.000000e+00> : vector<256xf32>
    %reduce_sum3A_52 = vector.multi_reduction <add>, %mul3A_50, %reduce_sum3A_51 [1] : vector<256x33xf32> to vector<256xf32>
    %broadcast_in_dim3A_53 = vector.shape_cast %reduce_sum3A_52 : vector<256xf32> to vector<256x1xf32>
    %swap3A = arith.constant 0 : index
    %swap3A_54 = arith.constant 0 : index
    %swap3A_55 = vector.load %arg9[%swap3A, %swap3A_54] : memref<256x1xf32, #tpu.memory_space<vmem>>, vector<256x1xf32>
    tpu.vector_store %arg9[%swap3A, %swap3A_54], %broadcast_in_dim3A_53 {strides = array<i32>} : memref<256x1xf32, #tpu.memory_space<vmem>>, vector<256x1xf32>,
    return
  }
  func.func @transform_0(%arg0: i32) -> (i32, i32) {
    %c0_i32 = arith.constant 0 : i32
    %c0_i32_0 = arith.constant 0 : i32
    return %arg0, %c0_i32 : i32, i32
  }
  func.func @transform_1(%arg0: i32) -> (i32, i32) {
    %c0_i32 = arith.constant 0 : i32
    %c0_i32_0 = arith.constant 0 : i32
    return %arg0, %c0_i32 : i32, i32
  }
  func.func @transform_2(%arg0: i32) -> (i32, i32) {
    %c0_i32 = arith.constant 0 : i32
    %c0_i32_0 = arith.constant 0 : i32
    return %arg0, %c0_i32 : i32, i32
  }
  func.func @transform_3(%arg0: i32) -> (i32, i32) {
    %c0_i32 = arith.constant 0 : i32
    %c0_i32_0 = arith.constant 0 : i32
    return %arg0, %c0_i32 : i32, i32
  }
  func.func @transform_4(%arg0: i32) -> (i32, i32) {
    %c0_i32 = arith.constant 0 : i32
    %c0_i32_0 = arith.constant 0 : i32
    %c0_i32_1 = arith.constant 0 : i32
    return %c0_i32, %c0_i32_0 : i32, i32
  }
  func.func @transform_5(%arg0: i32) -> (i32, i32) {
    %c0_i32 = arith.constant 0 : i32
    %c0_i32_0 = arith.constant 0 : i32
    %c0_i32_1 = arith.constant 0 : i32
    return %c0_i32, %c0_i32_0 : i32, i32
  }
  func.func @transform_6(%arg0: i32) -> (i32, i32) {
    %c0_i32 = arith.constant 0 : i32
    %c0_i32_0 = arith.constant 0 : i32
    %c0_i32_1 = arith.constant 0 : i32
    return %c0_i32, %c0_i32_0 : i32, i32
  }
  func.func @transform_7(%arg0: i32) -> (i32, i32) {
    %c0_i32 = arith.constant 0 : i32
    %c0_i32_0 = arith.constant 0 : i32
    %c0_i32_1 = arith.constant 0 : i32
    return %c0_i32, %c0_i32_0 : i32, i32
  }
  func.func @transform_8(%arg0: i32) -> (i32, i32) {
    %c0_i32 = arith.constant 0 : i32
    %c0_i32_0 = arith.constant 0 : i32
    return %arg0, %c0_i32 : i32, i32
  }
}

</mosaic_0001>

<sc_bundles>
// kernel: kernel.6.cloned.1.call-start
scs
__scs_entry_jumppad:
0x0: {  	(pc) =	sbr.rel $0x88, $3  }
0x1: {  	(tag) =	ssettag $0x0;
	lr =	simm.s32 $0x1  }
0x2: {  	[smem:$0x3F99] =	sst lr;
	_ =	strace $0xD0000000  }
0x3: {  	_ = 	snop  }
0x4: {  	_ = 	snop  }
0x5: {  	_ = 	snop  }
0x6: {  	_ = 	snop  }
0x7: {  	_ = 	snop  }
__scs_overlays_trampoline_lowered:
0x8: {  	[smem:$0x3FA8] =	sst s0  }
0x9: {  	[smem:$0x3FA9] =	sst s1  }
0xa: {  	[smem:$0x3FAA] =	sst s2  }
0xb: {  	[smem:$0x3FAB] =	sst s3  }
0xc: {  	[smem:$0x3FAC] =	sst s4  }
0xd: {  	[smem:$0x3FAD] =	sst s5  }
0xe: {  	[smem:$0x3FAE] =	sst s6  }
0xf: {  	[smem:$0x3FAF] =	sst s7  }
0x10: {  	[smem:$0x3FB0] =	sst s8  }
0x11: {  	[smem:$0x3FB1] =	sst s9;
	s0 =	simm.s32 @!p0 $0x0  }
0x12: {  	s1 =	sld [smem:$0x3F97];
	s0 =	simm.s32 @p0 $0x1  }
0x13: {  	[smem:$0x3FB2] =	sst s0;
	s0 =	simm.s32 @!p1 $0x0  }
0x14: {  	s2 =	sld [smem:$0x3F96];
	s0 =	simm.s32 @p1 $0x1  }
0x15: {  	[smem:$0x3FB3] =	sst s0;
	s0 =	simm.s32 @!p2 $0x0  }
0x16: {  	s3 =	sld [smem:$0x3FDB];
	s0 =	simm.s32 @p2 $0x1  }
0x17: {  	s4 =	simm.s32 $0x1BF5;
	[smem:$0x3FB5] =	sst s0  }
0x18: {  	s0 =	sld [smem:$0x3F98];
	_ =	swait.ge [sflag:s4], $0x0  }
0x19: {  	s7 =	sld [smem:$0x3F99]  }
0x1a: {  	s8 =	sadd.s32 $0xFFFFE003, lr  }
0x1b: {  	s9 =	sadd.s32 $0xFFFFFEF7, lr;
	s5 =	simm.s32 $0xFFFFFFFF;
	p2 =	slt.u32 s8, $0xFFFFF086  }
0x1c: {  	p1 =	slt.u32 s9, $0xF7A;
	s5 =	simm.s32 @!p2 $0x0  }
0x1d: {  	s5 =	simm.s32 @p1 $0x1;
	p0 =	seq.s32 s7, s2  }
0x1e: {  	s7 =	smul.u32 @!p0 $0xF7A, s2;
	p2 =	seq.s32 @!p0 s5, $0x0  }
0x1f: {  	s9 =	smul.u32 $0xF7A, s1;
	s8 =	simm.s32 @!p0 $0x1BF5;
	p2 =	por !p2, p0  }
0x20: {  	[sflag:s8] =	ssyncset.s32 @!p0 $0xFFFFF086;
	s6 =	sadd.s32 @!p0 s3, s7;
	s7 =	simm.s32 @!p0 $0x108  }
0x21: {  	s3 =	sadd.s32 s3, s9;
	s6 =	sadd.s32 @!p0 $0x88, s6;
	s7 =	simm.s32 @p2 $0x1082  }
0x22: {  	[simem:s7], [sflag:s8] =	dma.local @!p0 [hbm:s6], $0xF7A  }
0x23: {  	s9 =	sor.u32 $0xD0000000, s2;
	s6 =	simm.s32 $0x108;
	_ =	swait.ge @!p0 [sflag:s8], $0x0  }
0x24: {  	s3 =	sadd.s32 $0x88, s3;
	s6 =	simm.s32 @!p1 $0x1082;
	[sflag:s4] =	ssyncset.s32 $0xFFFFF086  }
0x25: {  	[simem:s6], [sflag:s4] =	dma.local [hbm:s3], $0xF7A  }
0x26: {  	[smem:$0x3F99] =	sst s1;
	(tag) =	ssettag s2;
	_ =	strace s9  }
0x27: {  	s1 =	sld [smem:$0x3FA9]  }
0x28: {  	s2 =	sld [smem:$0x3FAA]  }
0x29: {  	s4 =	sld [smem:$0x3FAC]  }
0x2a: {  	p0 =	seq.s32 s5, $0x0;
	s5 =	sld [smem:$0x3FAD]  }
0x2b: {  	s6 =	sld [smem:$0x3FAE]  }
0x2c: {  	s7 =	sld [smem:$0x3FAF]  }
0x2d: {  	s3 =	simm.s32 $0x108;
	s8 =	sld [smem:$0x3FB0]  }
0x2e: {  	s3 =	simm.s32 @!p0 $0x1082;
	s9 =	sld [smem:$0x3FB1]  }
0x2f: {  	lr =	sadd.s32 s0, s3;
	s0 =	sld [smem:$0x3FA8]  }
0x30: {  	s3 =	sld [smem:$0x3FAB]  }
0x31: {  	[smem:$0x3FB4] =	sst s10  }
0x32: {  	s10 =	sld [smem:$0x3FB2];
	_ =	sdelay $0x3  }
0x33: {  	p0 =	seq.s32 s10, $0x1;
	s10 =	sld [smem:$0x3FB4];
	_ =	sdelay $0x3  }
0x34: {  	[smem:$0x3FB4] =	sst s10  }
0x35: {  	s10 =	sld [smem:$0x3FB3];
	_ =	sdelay $0x3  }
0x36: {  	p1 =	seq.s32 s10, $0x1;
	s10 =	sld [smem:$0x3FB4];
	_ =	sdelay $0x3  }
0x37: {  	[smem:$0x3FB4] =	sst s10  }
0x38: {  	s10 =	sld [smem:$0x3FB5]  }
0x39: {  	_ = 	snop;
	(pc) =	sbr.ind lr, $3  }
0x3a: {  	_ = 	snop  }
0x3b: {  	_ = 	snop  }
0x3c: {  	p2 =	seq.s32 s10, $0x1;
	s10 =	sld [smem:$0x3FB4]  }
0x3d: {  	_ =	shalt  }
0x3e: {  	_ =	shalt  }
0x3f: {  	_ =	shalt  }
0x40: {  	_ =	shalt  }
0x41: {  	_ =	shalt  }
0x42: {  	_ =	shalt  }
0x43: {  	_ =	shalt  }
0x44: {  	_ =	shalt  }
0x45: {  	_ =	shalt  }
0x46: {  	_ =	shalt  }
0x47: {  	_ =	shalt  }
0x48: {  	_ =	shalt  }
0x49: {  	_ =	shalt  }
0x4a: {  	_ =	shalt  }
0x4b: {  	_ =	shalt  }
0x4c: {  	_ =	shalt  }
0x4d: {  	_ =	shalt  }
0x4e: {  	_ =	shalt  }
0x4f: {  	_ =	shalt  }
0x50: {  	_ =	shalt  }
0x51: {  	_ =	shalt  }
0x52: {  	_ =	shalt  }
0x53: {  	_ =	shalt  }
0x54: {  	_ =	shalt  }
0x55: {  	_ =	shalt  }
0x56: {  	_ =	shalt  }
0x57: {  	_ =	shalt  }
0x58: {  	_ =	shalt  }
0x59: {  	_ =	shalt  }
0x5a: {  	_ =	shalt  }
0x5b: {  	_ =	shalt  }
0x5c: {  	_ =	shalt  }
0x5d: {  	_ =	shalt  }
0x5e: {  	_ =	shalt  }
0x5f: {  	_ =	shalt  }
0x60: {  	_ =	shalt  }
0x61: {  	_ =	shalt  }
0x62: {  	_ =	shalt  }
0x63: {  	_ =	shalt  }
0x64: {  	_ =	shalt  }
0x65: {  	_ =	shalt  }
0x66: {  	_ =	shalt  }
0x67: {  	_ =	shalt  }
0x68: {  	_ =	shalt  }
0x69: {  	_ =	shalt  }
0x6a: {  	_ =	shalt  }
0x6b: {  	_ =	shalt  }
0x6c: {  	_ =	shalt  }
0x6d: {  	_ =	shalt  }
0x6e: {  	_ =	shalt  }
0x6f: {  	_ =	shalt  }
0x70: {  	_ =	shalt  }
0x71: {  	_ =	shalt  }
0x72: {  	_ =	shalt  }
0x73: {  	_ =	shalt  }
0x74: {  	_ =	shalt  }
0x75: {  	_ =	shalt  }
0x76: {  	_ =	shalt  }
0x77: {  	_ =	shalt  }
0x78: {  	_ =	shalt  }
0x79: {  	_ =	shalt  }
0x7a: {  	_ =	shalt  }
0x7b: {  	_ =	shalt  }
0x7c: {  	_ =	shalt  }
0x7d: {  	_ =	shalt  }
0x7e: {  	_ =	shalt  }
0x7f: {  	_ =	shalt  }
0x80: {  	_ =	shalt  }
0x81: {  	_ =	shalt  }
0x82: {  	_ =	shalt  }
0x83: {  	_ =	shalt  }
0x84: {  	_ =	shalt  }
0x85: {  	_ =	shalt  }
0x86: {  	_ =	shalt  }
0x87: {  	_ =	shalt  }
.Lfunc_end0:
.L_simem_size_0:
called_computation_lowered:
.L_overlay_start_0:
0x88: {  	s2 =	sld [smem:$0x3FD9]  }
0x89: {  	s3 =	sld [smem:$0x3FFE];
	_ =	sdelay $0x1  }
0x8a: {  	s1 =	srdreg.scid  }
0x8b: {  	s0 =	sand.u32 $0x1, s1  }
0x8c: {  	s16 =	sshll.u32 s0, $0xA;
	s2 =	sadd.s32 s3, s2  }
0x8d: {  	s2 =	sadd.s32 s2, s16  }
0x8e: {  	[smem:$0x3FC0] =	sst s2  }
0x8f: {  	_ = 	snop  }
0x90: {  	(tm) =	ssettm $0x1  }
0x91: {  	s17 =	sld [smem:$0x3FFB];
	_ =	sdelay $0x3  }
0x92: {  	_ =	strace s17  }
0x93: {  	s2 =	sld [smem:$0x3FFC];
	_ =	sdelay $0x3  }
0x94: {  	_ =	strace s2  }
0x95: {  	s2 =	sld [smem:$0x3FFD];
	_ =	sdelay $0x3  }
0x96: {  	_ =	strace s2  }
0x97: {  	_ =	strace $0x8FFFFFFF  }
0x98: {  	s18 =	sld [smem:$0x3FDB];
	_ =	sdelay $0x1  }
0x99: {  	s19 =	simm.s32 $_scs_section_size  }
0x9a: {  	s4 =	simm.s32 $_size__tile_overlayer_lowered;
	s5 =	simm.s32 $_tile_overlayer_lowered  }
0x9b: {  	s22 =	simm.s32 $0x1BFF;
	s21 =	sshll.u32 s5, $0x1;
	s2 =	sadd.s32 s19, s18  }
0x9c: {  	s6 =	simm.s32 $0x0;
	s20 =	sshll.u32 s4, $0x1;
	s4 =	sadd.s32 s21, s2  }
0x9d: {  	[timem:s6], [sflag:s22] =	dma.local [hbm:s4], s20  }
0x9e: {  	_ =	swait.ge [sflag:s22], s20  }
0x9f: {  	s3 =	ssub.s32 $0x0, s20;
	[sflag:s22] =	ssyncset.done $0x0  }
0xa0: {  	[sflag:s22] =	ssyncadd.s32 s3;
	_ =	sdelay $0x1  }
0xa1: {  	s23 =	simm.s32 $0x1B8B  }
0xa2: {  	_ =	swait.ge [sflag:s23], $0x1  }
0xa3: {  	[sflag:s23] =	ssyncset.done $0x0  }
0xa4: {  	s25 =	simm.s32 $0x1B8E;
	s24 =	sld [smem:$0x3FFE];
	[sflag:s23] =	ssyncadd.s32 $0xFFFFFFFF  }
0xa5: {  	s26 =	simm.s32 $execute0_lowered;
	[smem:$0x3FD2] =	sst s25  }
0xa6: {  	s4 =	sshll.u32 s26, $0x1;
	_ =	strace $0x80000046;
	[dreg:$0x1] =	wrdreg $0xFFFFFFFF  }
0xa7: {  	s28 =	simm.s32 $_size_execute0_lowered;
	s2 =	sadd.s32 s2, s4;
	[dreg:$0x0] =	wrdreg $0x0  }
0xa8: {  	s4 =	sshll.u32 s28, $0x1;
	[dreg:$0x2] =	wrdreg s2  }
0xa9: {  	[dreg:$0x3] =	wrdreg s4  }
0xaa: {  	[dreg:$0x4] =	wrdreg $0xC0  }
0xab: {  	_ =	task [dreg:s6], $0x5FFFF  }
0xac: {  	[dreg:$0x1] =	wrdreg $0xFFFFFFFF  }
0xad: {  	[dreg:$0x0] =	wrdreg $0x60  }
0xae: {  	[dreg:$0x2] =	wrdreg s24  }
0xaf: {  	[dreg:$0x3] =	wrdreg $0x9  }
0xb0: {  	_ =	task.clear_ibuf [dreg:s6], $0x4FFFF;
	_ =	strace $0x90000046  }
0xb1: {  	s29 =	simm.s32 $0x9;
	_ =	strace $0x80000048  }
0xb2: {  	_ =	swait.ge [sflag:s29], $0x1  }
0xb3: {  	[sflag:s29] =	ssyncadd.s32 $0xFFFFFFFF  }
0xb4: {  	_ =	strace $0x90000048  }
0xb5: {  	_ =	sfence  }
0xb6: {  	s30 =	sld [smem:$0x0];
	_ =	sdelay $0x2  }
0xb7: {  	s31 =	sshll.u32 s1, $0xD;
	s1 =	sshrl.u32 s1, $0x2  }
0xb8: {  	s3 =	sand.u32 $0x4000, s31;
	s1 =	sadd.s32 s1, s30  }
0xb9: {  	s0 =	sor.u32 s3, s0;
	s1 =	sshll.u32 s1, $0x11  }
0xba: {  	s0 =	sor.u32 s1, s0  }
0xbb: {  	s0 =	sadd.s32 $0x8F2B, s0  }
0xbc: {  	[sflag:s0] =	ssyncadd.remote.s32 $0x1  }
0xbd: {  	_ =	sfence.sel $0xFFFF  }
0xbe: {  	[dreg:$0x0] =	wrdreg $0xFFFFFFFF;
	(pc) =	sbr.abs _section_cstart, $3  }
0xbf: {  	[dreg:$0x1] =	wrdreg $0xFFFFFFFF  }
0xc0: {  	_ =	task.clear_ibuf [dreg:s6], $0x2FFFF;
	_ =	strace $0x9FFFFFFF  }
0xc1: {  	(tm) =	ssettm $0x7FFFFFFF  }
tec
execute0_lowered:
.L_overlay_start_1:
0x0: {  	(tag) =	ssettag $0x1  }
0x1: {  	s0 =	srdreg.scid  }
0x2: {  	s18 =	stileid.u32;
	s4 =	rddreg [dreg:$0x0];
	s2 =	simm.s32 $0x0  }
0x3: {  	s31 =	simm.s32 $0x9;
	s30 =	simm.s32 $0x400;
	s28 =	simm.s32 $0x180  }
0x4: {  	s29 =	simm.s32 $0x580;
	p0 =	por $0x0, $0x0;
	s0 =	sand.u32 $0x1, s0  }
0x5: {  	s1 =	sshll.u32 s18, $0x1;
	[smem:$0x7FF] =	sst s2;
	s5 =	sadd.s32 $0xA600, s4  }
0x6: {  	s1 =	sor.u32 s0, s1;
	_ =	strace $0x80000047;
	s0 =	ssub.s32 $0x2, s0  }
0x7: {  	s3 =	sshll.u32 s1, $0x7;
	s1 =	sshll.u32 s1, $0xE;
	s24 =	sshrl.u32 s0, $0x1  }
0x8: {  	s3 =	sadd.s32 s3, s4;
	s25 =	sadd.s32 s5, s1;
	s7 =	sor.u32 $0x800, s1  }
0x9: {  	s10 =	sor.u32 $0x1000, s1;
	s13 =	sor.u32 $0x1800, s1;
	s17 =	sor.u32 $0x2800, s1  }
0xa: {  	s21 =	sor.u32 $0x3000, s1;
	s6 =	sadd.s32 $0x6400, s3;
	[dreg:$0x4] =	wrdreg s25  }
0xb: {  	s0 =	ssub.s32 s0, s24;
	s3 =	sadd.s32 $0x5400, s3;
	[dreg:$0x2] =	wrdreg s6  }
0xc: {  	s24 =	simm.s32 $0x680;
	s8 =	sadd.s32 s5, s7;
	[dreg:$0x3] =	wrdreg s3  }
0xd: {  	s11 =	sadd.s32 s5, s10;
	s14 =	sadd.s32 s5, s13;
	[dreg:$0x6] =	wrdreg s8  }
0xe: {  	s19 =	sadd.s32 s5, s17;
	s22 =	sadd.s32 s5, s21;
	[dreg:$0x8] =	wrdreg s11  }
0xf: {  	s0 =	smax.u32 s0, $0x1;
	s25 =	simm.s32 $0x480;
	[dreg:$0xa] =	wrdreg s14  }
0x10: {  	s6 =	sadd.s32 $0x8A600, s4;
	s8 =	sor.u32 $0x2000, s1;
	[dreg:$0xe] =	wrdreg s19  }
0x11: {  	s3 =	sadd.s32 $0xE8D400, s4;
	s4 =	sadd.s32 $0x7400, s4;
	[dreg:$0x10] =	wrdreg s22  }
0x12: {  	s14 =	simm.s32 $0x80;
	s11 =	simm.s32 $0x800;
	[dreg:$0x14] =	wrdreg s25  }
0x13: {  	s25 =	simm.s32 $0x200;
	p1 =	sne.s32 s0, $0x1;
	s26 =	sadd.s32 s6, s1  }
0x14: {  	s22 =	simm.s32 $0x700;
	s9 =	sadd.s32 s6, s7;
	[dreg:$0x5] =	wrdreg s26  }
0x15: {  	s19 =	simm.s32 $0x380;
	s12 =	sadd.s32 s6, s10;
	[dreg:$0x7] =	wrdreg s9  }
0x16: {  	s7 =	sadd.s32 s6, s13;
	s15 =	sadd.s32 s5, s8;
	[dreg:$0x9] =	wrdreg s12  }
0x17: {  	s16 =	sadd.s32 s6, s8;
	s20 =	sadd.s32 s6, s17;
	[dreg:$0xb] =	wrdreg s7  }
0x18: {  	s23 =	sadd.s32 s6, s21;
	s1 =	sor.u32 $0x3800, s1;
	[dreg:$0xc] =	wrdreg s15  }
0x19: {  	s8 =	simm.s32 $0xC800;
	s17 =	simm.s32 $0x1;
	[dreg:$0xd] =	wrdreg s16  }
0x1a: {  	s13 =	simm.s32 $0x4;
	s10 =	simm.s32 $0x6;
	[dreg:$0xf] =	wrdreg s20  }
0x1b: {  	s21 =	simm.s32 $0x300;
	[dreg:$0x11] =	wrdreg s23;
	s5 =	sadd.s32 s5, s1  }
0x1c: {  	s1 =	sadd.s32 s6, s1;
	s12 =	simm.s32 $0x8800;
	s15 =	simm.s32 $0x3  }
.Ltmp0:
0x1d: {  	s9 =	simm.s32 $0x5;
	s26 =	simm.s32 $0x100;
	(pc) =	sbr.rel @!p1 .LBB2_1-.Ltmp0, $4  }
0x1e: {  	s6 =	simm.s32 $0x7;
	s16 =	simm.s32 $0x2;
	[dreg:$0x12] =	wrdreg s5  }
0x1f: {  	s7 =	simm.s32 $0x8;
	s23 =	simm.s32 $0x280;
	[dreg:$0x13] =	wrdreg s1  }
0x20: {  	s20 =	simm.s32 $0x780;
	s5 =	simm.s32 $0x4800;
	[dreg:$0x15] =	wrdreg s26  }
0x21: {  	s26 =	simm.s32 $0x600;
	s1 =	sadd.s32 $0xFFFFFFFF, s0;
	s0 =	rddreg [dreg:$0x2]  }
0x22: {  	[tilespmem:s2], [sflag:$0x9] =	stream.linear.gather [hbm4b:s0+s2], $0x400, $0x38;
	[tilespmem:$0x10800] =	vst v63  }
0x23: {  	_ =	swait.ge [sflag:s31], $0x400  }
0x24: {  	[sflag:s31] =	ssyncset.done $0x0  }
0x25: {  	s18 =	rddreg [dreg:$0x3];
	[sflag:s31] =	ssyncadd.s32 $0xFFFFFC00  }
0x26: {  	[tilespmem:s30], [sflag:$0x9] =	stream.linear.gather [hbm4b:s18+s2], $0x400, $0x38;
	[tilespmem:$0x10800] =	vst v63  }
0x27: {  	_ =	swait.ge [sflag:s31], $0x400  }
0x28: {  	[sflag:s31] =	ssyncset.done $0x0  }
0x29: {  	[sflag:s31] =	ssyncadd.s32 $0xFFFFFC00  }
0x2a: {  	[tilespmem:s11], [sflag:$0x1] =	stream.indirect.gather [hbm4b:s3+s14], $0x80, s2, s14, $0xb8;
	[tilespmem:$0x10800] =	vst v63  }
0x2b: {  	_ = 	snop  }
0x2c: {  	[tilespmem:s12], [sflag:$0x3] =	stream.indirect.gather [hbm4b:s4+s14], $0x80, s30, s14, $0xb8;
	[tilespmem:$0x10800] =	vst v63  }
0x2d: {  	_ = 	snop  }
0x2e: {  	[tilespmem:s5], [sflag:$0x2] =	stream.indirect.gather [hbm4b:s3+s14], $0x80, s14, s14, $0xb8;
	[tilespmem:$0x10800] =	vst v63  }
0x2f: {  	s18 =	rddreg [dreg:$0x14]  }
0x30: {  	[tilespmem:s8], [sflag:$0x4] =	stream.indirect.gather [hbm4b:s4+s14], $0x80, s18, s14, $0xb8;
	[tilespmem:$0x10800] =	vst v63  }
0x31: {  	_ =	swait.ge [sflag:s17], $0x4000  }
0x32: {  	[sflag:s17] =	ssyncset.done $0x0  }
0x33: {  	[sflag:s17] =	ssyncadd.s32 $0xFFFFC000  }
0x34: {  	_ =	swait.ge [sflag:s15], $0x4000  }
0x35: {  	[sflag:s15] =	ssyncset.done $0x0  }
0x36: {  	s0 =	rddreg [dreg:$0x4];
	[sflag:s15] =	ssyncadd.s32 $0xFFFFC000  }
0x37: {  	[hbm4b:s0+s2] =	stream.linear.scatter [tilespmem:s11], [sflag:$0x5], $0x4000, $0x38;
	[tilespmem:$0x10800] =	vst v63  }
0x38: {  	s18 =	smov.u32 s1;
	s1 =	rddreg [dreg:$0x5]  }
0x39: {  	[hbm4b:s1+s2] =	stream.linear.scatter [tilespmem:s12], [sflag:$0x7], $0x4000, $0x38;
	[tilespmem:$0x10800] =	vst v63  }
0x3a: {  	_ =	swait.ge [sflag:s9], $0x4000  }
0x3b: {  	[sflag:s9] =	ssyncset.done $0x0  }
0x3c: {  	[sflag:s9] =	ssyncadd.s32 $0xFFFFC000  }
0x3d: {  	_ =	swait.ge [sflag:s6], $0x4000  }
0x3e: {  	[sflag:s6] =	ssyncset.done $0x0  }
0x3f: {  	s1 =	rddreg [dreg:$0x15];
	[sflag:s6] =	ssyncadd.s32 $0xFFFFC000  }
0x40: {  	[tilespmem:s11], [sflag:$0x1] =	stream.indirect.gather [hbm4b:s3+s14], $0x80, s1, s14, $0xb8;
	[tilespmem:$0x10800] =	vst v63  }
0x41: {  	s1 =	simm.s32 $0x500  }
0x42: {  	[tilespmem:s12], [sflag:$0x3] =	stream.indirect.gather [hbm4b:s4+s14], $0x80, s1, s14, $0xb8;
	[tilespmem:$0x10800] =	vst v63  }
0x43: {  	_ =	swait.ge [sflag:s16], $0x4000  }
0x44: {  	[sflag:s16] =	ssyncset.done $0x0  }
0x45: {  	[sflag:s16] =	ssyncadd.s32 $0xFFFFC000  }
0x46: {  	_ =	swait.ge [sflag:s13], $0x4000  }
0x47: {  	[sflag:s13] =	ssyncset.done $0x0  }
0x48: {  	s0 =	rddreg [dreg:$0x6];
	[sflag:s13] =	ssyncadd.s32 $0xFFFFC000  }
0x49: {  	[hbm4b:s0+s2] =	stream.linear.scatter [tilespmem:s5], [sflag:$0x6], $0x4000, $0x38;
	[tilespmem:$0x10800] =	vst v63  }
0x4a: {  	s1 =	rddreg [dreg:$0x7]  }
0x4b: {  	[hbm4b:s1+s2] =	stream.linear.scatter [tilespmem:s8], [sflag:$0x8], $0x4000, $0x38;
	[tilespmem:$0x10800] =	vst v63  }
0x4c: {  	_ =	swait.ge [sflag:s10], $0x4000  }
0x4d: {  	[sflag:s10] =	ssyncset.done $0x0  }
0x4e: {  	[sflag:s10] =	ssyncadd.s32 $0xFFFFC000  }
0x4f: {  	_ =	swait.ge [sflag:s7], $0x4000  }
0x50: {  	[sflag:s7] =	ssyncset.done $0x0  }
0x51: {  	[sflag:s7] =	ssyncadd.s32 $0xFFFFC000  }
0x52: {  	[tilespmem:s5], [sflag:$0x2] =	stream.indirect.gather [hbm4b:s3+s14], $0x80, s28, s14, $0xb8;
	[tilespmem:$0x10800] =	vst v63  }
0x53: {  	_ = 	snop  }
0x54: {  	[tilespmem:s8], [sflag:$0x4] =	stream.indirect.gather [hbm4b:s4+s14], $0x80, s29, s14, $0xb8;
	[tilespmem:$0x10800] =	vst v63  }
0x55: {  	_ =	swait.ge [sflag:s17], $0x4000  }
0x56: {  	[sflag:s17] =	ssyncset.done $0x0  }
0x57: {  	[sflag:s17] =	ssyncadd.s32 $0xFFFFC000  }
0x58: {  	_ =	swait.ge [sflag:s15], $0x4000  }
0x59: {  	[sflag:s15] =	ssyncset.done $0x0  }
0x5a: {  	s0 =	rddreg [dreg:$0x8];
	[sflag:s15] =	ssyncadd.s32 $0xFFFFC000  }
0x5b: {  	[hbm4b:s0+s2] =	stream.linear.scatter [tilespmem:s11], [sflag:$0x5], $0x4000, $0x38;
	[tilespmem:$0x10800] =	vst v63  }
0x5c: {  	s1 =	rddreg [dreg:$0x9]  }
0x5d: {  	[hbm4b:s1+s2] =	stream.linear.scatter [tilespmem:s12], [sflag:$0x7], $0x4000, $0x38;
	[tilespmem:$0x10800] =	vst v63  }
0x5e: {  	_ =	swait.ge [sflag:s9], $0x4000  }
0x5f: {  	[sflag:s9] =	ssyncset.done $0x0  }
0x60: {  	[sflag:s9] =	ssyncadd.s32 $0xFFFFC000  }
0x61: {  	_ =	swait.ge [sflag:s6], $0x4000  }
0x62: {  	[sflag:s6] =	ssyncset.done $0x0  }
0x63: {  	[sflag:s6] =	ssyncadd.s32 $0xFFFFC000  }
0x64: {  	[tilespmem:s11], [sflag:$0x1] =	stream.indirect.gather [hbm4b:s3+s14], $0x80, s25, s14, $0xb8;
	[tilespmem:$0x10800] =	vst v63  }
0x65: {  	_ = 	snop  }
0x66: {  	[tilespmem:s12], [sflag:$0x3] =	stream.indirect.gather [hbm4b:s4+s14], $0x80, s26, s14, $0xb8;
	[tilespmem:$0x10800] =	vst v63  }
0x67: {  	_ =	swait.ge [sflag:s16], $0x4000  }
0x68: {  	[sflag:s16] =	ssyncset.done $0x0  }
0x69: {  	[sflag:s16] =	ssyncadd.s32 $0xFFFFC000  }
0x6a: {  	_ =	swait.ge [sflag:s13], $0x4000  }
0x6b: {  	[sflag:s13] =	ssyncset.done $0x0  }
0x6c: {  	s0 =	rddreg [dreg:$0xa];
	[sflag:s13] =	ssyncadd.s32 $0xFFFFC000  }
0x6d: {  	[hbm4b:s0+s2] =	stream.linear.scatter [tilespmem:s5], [sflag:$0x6], $0x4000, $0x38;
	[tilespmem:$0x10800] =	vst v63  }
0x6e: {  	s1 =	rddreg [dreg:$0xb]  }
0x6f: {  	[hbm4b:s1+s2] =	stream.linear.scatter [tilespmem:s8], [sflag:$0x8], $0x4000, $0x38;
	[tilespmem:$0x10800] =	vst v63  }
0x70: {  	_ =	swait.ge [sflag:s10], $0x4000  }
0x71: {  	[sflag:s10] =	ssyncset.done $0x0  }
0x72: {  	[sflag:s10] =	ssyncadd.s32 $0xFFFFC000  }
0x73: {  	_ =	swait.ge [sflag:s7], $0x4000  }
0x74: {  	[sflag:s7] =	ssyncset.done $0x0  }
0x75: {  	[sflag:s7] =	ssyncadd.s32 $0xFFFFC000  }
0x76: {  	[tilespmem:s5], [sflag:$0x2] =	stream.indirect.gather [hbm4b:s3+s14], $0x80, s23, s14, $0xb8;
	[tilespmem:$0x10800] =	vst v63  }
0x77: {  	_ = 	snop  }
0x78: {  	[tilespmem:s8], [sflag:$0x4] =	stream.indirect.gather [hbm4b:s4+s14], $0x80, s24, s14, $0xb8;
	[tilespmem:$0x10800] =	vst v63  }
0x79: {  	_ =	swait.ge [sflag:s17], $0x4000  }
0x7a: {  	[sflag:s17] =	ssyncset.done $0x0  }
0x7b: {  	[sflag:s17] =	ssyncadd.s32 $0xFFFFC000  }
0x7c: {  	_ =	swait.ge [sflag:s15], $0x4000  }
0x7d: {  	[sflag:s15] =	ssyncset.done $0x0  }
0x7e: {  	s0 =	rddreg [dreg:$0xc];
	[sflag:s15] =	ssyncadd.s32 $0xFFFFC000  }
0x7f: {  	[hbm4b:s0+s2] =	stream.linear.scatter [tilespmem:s11], [sflag:$0x5], $0x4000, $0x38;
	[tilespmem:$0x10800] =	vst v63  }
0x80: {  	s1 =	rddreg [dreg:$0xd]  }
0x81: {  	[hbm4b:s1+s2] =	stream.linear.scatter [tilespmem:s12], [sflag:$0x7], $0x4000, $0x38;
	[tilespmem:$0x10800] =	vst v63  }
0x82: {  	_ =	swait.ge [sflag:s9], $0x4000  }
0x83: {  	[sflag:s9] =	ssyncset.done $0x0  }
0x84: {  	[sflag:s9] =	ssyncadd.s32 $0xFFFFC000  }
0x85: {  	_ =	swait.ge [sflag:s6], $0x4000  }
0x86: {  	[sflag:s6] =	ssyncset.done $0x0  }
0x87: {  	[sflag:s6] =	ssyncadd.s32 $0xFFFFC000  }
0x88: {  	[tilespmem:s11], [sflag:$0x1] =	stream.indirect.gather [hbm4b:s3+s14], $0x80, s21, s14, $0xb8;
	[tilespmem:$0x10800] =	vst v63  }
0x89: {  	_ = 	snop  }
0x8a: {  	[tilespmem:s12], [sflag:$0x3] =	stream.indirect.gather [hbm4b:s4+s14], $0x80, s22, s14, $0xb8;
	[tilespmem:$0x10800] =	vst v63  }
0x8b: {  	_ =	swait.ge [sflag:s16], $0x4000  }
0x8c: {  	[sflag:s16] =	ssyncset.done $0x0  }
0x8d: {  	[sflag:s16] =	ssyncadd.s32 $0xFFFFC000  }
0x8e: {  	_ =	swait.ge [sflag:s13], $0x4000  }
0x8f: {  	[sflag:s13] =	ssyncset.done $0x0  }
0x90: {  	s0 =	rddreg [dreg:$0xe];
	[sflag:s13] =	ssyncadd.s32 $0xFFFFC000  }
0x91: {  	[hbm4b:s0+s2] =	stream.linear.scatter [tilespmem:s5], [sflag:$0x6], $0x4000, $0x38;
	[tilespmem:$0x10800] =	vst v63  }
0x92: {  	s1 =	rddreg [dreg:$0xf]  }
0x93: {  	[hbm4b:s1+s2] =	stream.linear.scatter [tilespmem:s8], [sflag:$0x8], $0x4000, $0x38;
	[tilespmem:$0x10800] =	vst v63  }
0x94: {  	_ =	swait.ge [sflag:s10], $0x4000  }
0x95: {  	[sflag:s10] =	ssyncset.done $0x0  }
0x96: {  	[sflag:s10] =	ssyncadd.s32 $0xFFFFC000  }
0x97: {  	_ =	swait.ge [sflag:s7], $0x4000  }
0x98: {  	[sflag:s7] =	ssyncset.done $0x0  }
0x99: {  	[sflag:s7] =	ssyncadd.s32 $0xFFFFC000  }
0x9a: {  	[tilespmem:s5], [sflag:$0x2] =	stream.indirect.gather [hbm4b:s3+s14], $0x80, s19, s14, $0xb8;
	[tilespmem:$0x10800] =	vst v63  }
0x9b: {  	_ = 	snop  }
0x9c: {  	[tilespmem:s8], [sflag:$0x4] =	stream.indirect.gather [hbm4b:s4+s14], $0x80, s20, s14, $0xb8;
	[tilespmem:$0x10800] =	vst v63  }
0x9d: {  	_ =	swait.ge [sflag:s17], $0x4000  }
0x9e: {  	[sflag:s17] =	ssyncset.done $0x0  }
0x9f: {  	[sflag:s17] =	ssyncadd.s32 $0xFFFFC000  }
0xa0: {  	_ =	swait.ge [sflag:s15], $0x4000  }
0xa1: {  	[sflag:s15] =	ssyncset.done $0x0  }
0xa2: {  	s0 =	rddreg [dreg:$0x10];
	[sflag:s15] =	ssyncadd.s32 $0xFFFFC000  }
0xa3: {  	[hbm4b:s0+s2] =	stream.linear.scatter [tilespmem:s11], [sflag:$0x5], $0x4000, $0x38;
	[tilespmem:$0x10800] =	vst v63  }
0xa4: {  	s1 =	rddreg [dreg:$0x11]  }
0xa5: {  	[hbm4b:s1+s2] =	stream.linear.scatter [tilespmem:s12], [sflag:$0x7], $0x4000, $0x38;
	[tilespmem:$0x10800] =	vst v63  }
0xa6: {  	_ =	swait.ge [sflag:s16], $0x4000  }
0xa7: {  	[sflag:s16] =	ssyncset.done $0x0  }
0xa8: {  	[sflag:s16] =	ssyncadd.s32 $0xFFFFC000  }
0xa9: {  	_ =	swait.ge [sflag:s13], $0x4000  }
0xaa: {  	[sflag:s13] =	ssyncset.done $0x0  }
0xab: {  	s0 =	rddreg [dreg:$0x12];
	[sflag:s13] =	ssyncadd.s32 $0xFFFFC000  }
0xac: {  	[hbm4b:s0+s2] =	stream.linear.scatter [tilespmem:s5], [sflag:$0x6], $0x4000, $0x38;
	[tilespmem:$0x10800] =	vst v63  }
0xad: {  	s1 =	rddreg [dreg:$0x13]  }
0xae: {  	[hbm4b:s1+s2] =	stream.linear.scatter [tilespmem:s8], [sflag:$0x8], $0x4000, $0x38;
	[tilespmem:$0x10800] =	vst v63  }
0xaf: {  	_ =	swait.ge [sflag:s9], $0x4000  }
0xb0: {  	[sflag:s9] =	ssyncset.done $0x0  }
0xb1: {  	[sflag:s9] =	ssyncadd.s32 $0xFFFFC000  }
0xb2: {  	_ =	swait.ge [sflag:s6], $0x4000  }
0xb3: {  	[sflag:s6] =	ssyncset.done $0x0  }
0xb4: {  	p1 =	sne.s32 s18, $0x1;
	[sflag:s6] =	ssyncadd.s32 $0xFFFFC000  }
.Ltmp1:
0xb5: {  	_ =	swait.ge [sflag:s10], $0x4000;
	(pc) =	sbr.rel @!p1 .LBB2_3-.Ltmp1, $4  }
0xb6: {  	[sflag:s10] =	ssyncset.done $0x0  }
0xb7: {  	[sflag:s10] =	ssyncadd.s32 $0xFFFFC000  }
0xb8: {  	p0 =	por $0x1, $0x1;
	_ =	swait.ge [sflag:s7], $0x4000  }
0xb9: {  	s1 =	sadd.s32 $0xFFFFFFFF, s18;
	s0 =	rddreg [dreg:$0x2];
	[sflag:s7] =	ssyncset.done $0x0  }
.LBB2_4:
0xba: {  	[sflag:s7] =	ssyncadd.s32 $0xFFFFC000  }
0xbb: {  	[tilespmem:s2], [sflag:$0x9] =	stream.linear.gather [hbm4b:s0+s2], $0x400, $0x38;
	[tilespmem:$0x10800] =	vst v63  }
0xbc: {  	_ =	swait.ge [sflag:s31], $0x400  }
0xbd: {  	[sflag:s31] =	ssyncset.done $0x0  }
0xbe: {  	s18 =	rddreg [dreg:$0x3];
	[sflag:s31] =	ssyncadd.s32 $0xFFFFFC00  }
0xbf: {  	[tilespmem:s30], [sflag:$0x9] =	stream.linear.gather [hbm4b:s18+s2], $0x400, $0x38;
	[tilespmem:$0x10800] =	vst v63  }
0xc0: {  	_ =	swait.ge [sflag:s31], $0x400  }
0xc1: {  	[sflag:s31] =	ssyncset.done $0x0  }
0xc2: {  	[sflag:s31] =	ssyncadd.s32 $0xFFFFFC00  }
0xc3: {  	[tilespmem:s11], [sflag:$0x1] =	stream.indirect.gather [hbm4b:s3+s14], $0x80, s2, s14, $0xb8;
	[tilespmem:$0x10800] =	vst v63  }
0xc4: {  	_ = 	snop  }
0xc5: {  	[tilespmem:s12], [sflag:$0x3] =	stream.indirect.gather [hbm4b:s4+s14], $0x80, s30, s14, $0xb8;
	[tilespmem:$0x10800] =	vst v63  }
0xc6: {  	_ = 	snop  }
0xc7: {  	[tilespmem:s5], [sflag:$0x2] =	stream.indirect.gather [hbm4b:s3+s14], $0x80, s14, s14, $0xb8;
	[tilespmem:$0x10800] =	vst v63  }
0xc8: {  	s18 =	rddreg [dreg:$0x14]  }
0xc9: {  	[tilespmem:s8], [sflag:$0x4] =	stream.indirect.gather [hbm4b:s4+s14], $0x80, s18, s14, $0xb8;
	[tilespmem:$0x10800] =	vst v63  }
0xca: {  	_ =	swait.ge [sflag:s17], $0x4000  }
0xcb: {  	[sflag:s17] =	ssyncset.done $0x0  }
0xcc: {  	[sflag:s17] =	ssyncadd.s32 $0xFFFFC000  }
0xcd: {  	_ =	swait.ge [sflag:s15], $0x4000  }
0xce: {  	[sflag:s15] =	ssyncset.done $0x0  }
0xcf: {  	s0 =	rddreg [dreg:$0x4];
	[sflag:s15] =	ssyncadd.s32 $0xFFFFC000  }
0xd0: {  	[hbm4b:s0+s2] =	stream.linear.scatter [tilespmem:s11], [sflag:$0x5], $0x4000, $0x38;
	[tilespmem:$0x10800] =	vst v63  }
0xd1: {  	s18 =	rddreg [dreg:$0x5]  }
0xd2: {  	[hbm4b:s18+s2] =	stream.linear.scatter [tilespmem:s12], [sflag:$0x7], $0x4000, $0x38;
	[tilespmem:$0x10800] =	vst v63  }
0xd3: {  	_ =	swait.ge [sflag:s9], $0x4000  }
0xd4: {  	[sflag:s9] =	ssyncset.done $0x0  }
0xd5: {  	[sflag:s9] =	ssyncadd.s32 $0xFFFFC000  }
0xd6: {  	_ =	swait.ge [sflag:s6], $0x4000  }
0xd7: {  	[sflag:s6] =	ssyncset.done $0x0  }
0xd8: {  	s18 =	rddreg [dreg:$0x15];
	[sflag:s6] =	ssyncadd.s32 $0xFFFFC000  }
0xd9: {  	[tilespmem:s11], [sflag:$0x1] =	stream.indirect.gather [hbm4b:s3+s14], $0x80, s18, s14, $0xb8;
	[tilespmem:$0x10800] =	vst v63  }
0xda: {  	s18 =	simm.s32 $0x500  }
0xdb: {  	[tilespmem:s12], [sflag:$0x3] =	stream.indirect.gather [hbm4b:s4+s14], $0x80, s18, s14, $0xb8;
	[tilespmem:$0x10800] =	vst v63  }
0xdc: {  	_ =	swait.ge [sflag:s16], $0x4000  }
0xdd: {  	[sflag:s16] =	ssyncset.done $0x0  }
0xde: {  	[sflag:s16] =	ssyncadd.s32 $0xFFFFC000  }
0xdf: {  	_ =	swait.ge [sflag:s13], $0x4000  }
0xe0: {  	[sflag:s13] =	ssyncset.done $0x0  }
0xe1: {  	s0 =	rddreg [dreg:$0x6];
	[sflag:s13] =	ssyncadd.s32 $0xFFFFC000  }
0xe2: {  	[hbm4b:s0+s2] =	stream.linear.scatter [tilespmem:s5], [sflag:$0x6], $0x4000, $0x38;
	[tilespmem:$0x10800] =	vst v63  }
0xe3: {  	s18 =	rddreg [dreg:$0x7]  }
0xe4: {  	[hbm4b:s18+s2] =	stream.linear.scatter [tilespmem:s8], [sflag:$0x8], $0x4000, $0x38;
	[tilespmem:$0x10800] =	vst v63  }
0xe5: {  	_ =	swait.ge [sflag:s10], $0x4000  }
0xe6: {  	[sflag:s10] =	ssyncset.done $0x0  }
0xe7: {  	[sflag:s10] =	ssyncadd.s32 $0xFFFFC000  }
0xe8: {  	_ =	swait.ge [sflag:s7], $0x4000  }
0xe9: {  	[sflag:s7] =	ssyncset.done $0x0  }
0xea: {  	[sflag:s7] =	ssyncadd.s32 $0xFFFFC000  }
0xeb: {  	[tilespmem:s5], [sflag:$0x2] =	stream.indirect.gather [hbm4b:s3+s14], $0x80, s28, s14, $0xb8;
	[tilespmem:$0x10800] =	vst v63  }
0xec: {  	_ = 	snop  }
0xed: {  	[tilespmem:s8], [sflag:$0x4] =	stream.indirect.gather [hbm4b:s4+s14], $0x80, s29, s14, $0xb8;
	[tilespmem:$0x10800] =	vst v63  }
0xee: {  	_ =	swait.ge [sflag:s17], $0x4000  }
0xef: {  	[sflag:s17] =	ssyncset.done $0x0  }
0xf0: {  	[sflag:s17] =	ssyncadd.s32 $0xFFFFC000  }
0xf1: {  	_ =	swait.ge [sflag:s15], $0x4000  }
0xf2: {  	[sflag:s15] =	ssyncset.done $0x0  }
0xf3: {  	s0 =	rddreg [dreg:$0x8];
	[sflag:s15] =	ssyncadd.s32 $0xFFFFC000  }
0xf4: {  	[hbm4b:s0+s2] =	stream.linear.scatter [tilespmem:s11], [sflag:$0x5], $0x4000, $0x38;
	[tilespmem:$0x10800] =	vst v63  }
0xf5: {  	s18 =	rddreg [dreg:$0x9]  }
0xf6: {  	[hbm4b:s18+s2] =	stream.linear.scatter [tilespmem:s12], [sflag:$0x7], $0x4000, $0x38;
	[tilespmem:$0x10800] =	vst v63  }
0xf7: {  	_ =	swait.ge [sflag:s9], $0x4000  }
0xf8: {  	[sflag:s9] =	ssyncset.done $0x0  }
0xf9: {  	[sflag:s9] =	ssyncadd.s32 $0xFFFFC000  }
0xfa: {  	_ =	swait.ge [sflag:s6], $0x4000  }
0xfb: {  	[sflag:s6] =	ssyncset.done $0x0  }
0xfc: {  	[sflag:s6] =	ssyncadd.s32 $0xFFFFC000  }
0xfd: {  	[tilespmem:s11], [sflag:$0x1] =	stream.indirect.gather [hbm4b:s3+s14], $0x80, s25, s14, $0xb8;
	[tilespmem:$0x10800] =	vst v63  }
0xfe: {  	_ = 	snop  }
0xff: {  	[tilespmem:s12], [sflag:$0x3] =	stream.indirect.gather [hbm4b:s4+s14], $0x80, s26, s14, $0xb8;
	[tilespmem:$0x10800] =	vst v63  }
0x100: {  	_ =	swait.ge [sflag:s16], $0x4000  }
0x101: {  	[sflag:s16] =	ssyncset.done $0x0  }
0x102: {  	[sflag:s16] =	ssyncadd.s32 $0xFFFFC000  }
0x103: {  	_ =	swait.ge [sflag:s13], $0x4000  }
0x104: {  	[sflag:s13] =	ssyncset.done $0x0  }
0x105: {  	s0 =	rddreg [dreg:$0xa];
	[sflag:s13] =	ssyncadd.s32 $0xFFFFC000  }
0x106: {  	[hbm4b:s0+s2] =	stream.linear.scatter [tilespmem:s5], [sflag:$0x6], $0x4000, $0x38;
	[tilespmem:$0x10800] =	vst v63  }
0x107: {  	s18 =	rddreg [dreg:$0xb]  }
0x108: {  	[hbm4b:s18+s2] =	stream.linear.scatter [tilespmem:s8], [sflag:$0x8], $0x4000, $0x38;
	[tilespmem:$0x10800] =	vst v63  }
0x109: {  	_ =	swait.ge [sflag:s10], $0x4000  }
0x10a: {  	[sflag:s10] =	ssyncset.done $0x0  }
0x10b: {  	[sflag:s10] =	ssyncadd.s32 $0xFFFFC000  }
0x10c: {  	_ =	swait.ge [sflag:s7], $0x4000  }
0x10d: {  	[sflag:s7] =	ssyncset.done $0x0  }
0x10e: {  	[sflag:s7] =	ssyncadd.s32 $0xFFFFC000  }
0x10f: {  	[tilespmem:s5], [sflag:$0x2] =	stream.indirect.gather [hbm4b:s3+s14], $0x80, s23, s14, $0xb8;
	[tilespmem:$0x10800] =	vst v63  }
0x110: {  	_ = 	snop  }
0x111: {  	[tilespmem:s8], [sflag:$0x4] =	stream.indirect.gather [hbm4b:s4+s14], $0x80, s24, s14, $0xb8;
	[tilespmem:$0x10800] =	vst v63  }
0x112: {  	_ =	swait.ge [sflag:s17], $0x4000  }
0x113: {  	[sflag:s17] =	ssyncset.done $0x0  }
0x114: {  	[sflag:s17] =	ssyncadd.s32 $0xFFFFC000  }
0x115: {  	_ =	swait.ge [sflag:s15], $0x4000  }
0x116: {  	[sflag:s15] =	ssyncset.done $0x0  }
0x117: {  	s0 =	rddreg [dreg:$0xc];
	[sflag:s15] =	ssyncadd.s32 $0xFFFFC000  }
0x118: {  	[hbm4b:s0+s2] =	stream.linear.scatter [tilespmem:s11], [sflag:$0x5], $0x4000, $0x38;
	[tilespmem:$0x10800] =	vst v63  }
0x119: {  	s18 =	rddreg [dreg:$0xd]  }
0x11a: {  	[hbm4b:s18+s2] =	stream.linear.scatter [tilespmem:s12], [sflag:$0x7], $0x4000, $0x38;
	[tilespmem:$0x10800] =	vst v63  }
0x11b: {  	_ =	swait.ge [sflag:s9], $0x4000  }
0x11c: {  	[sflag:s9] =	ssyncset.done $0x0  }
0x11d: {  	[sflag:s9] =	ssyncadd.s32 $0xFFFFC000  }
0x11e: {  	_ =	swait.ge [sflag:s6], $0x4000  }
0x11f: {  	[sflag:s6] =	ssyncset.done $0x0  }
0x120: {  	[sflag:s6] =	ssyncadd.s32 $0xFFFFC000  }
0x121: {  	[tilespmem:s11], [sflag:$0x1] =	stream.indirect.gather [hbm4b:s3+s14], $0x80, s21, s14, $0xb8;
	[tilespmem:$0x10800] =	vst v63  }
0x122: {  	_ = 	snop  }
0x123: {  	[tilespmem:s12], [sflag:$0x3] =	stream.indirect.gather [hbm4b:s4+s14], $0x80, s22, s14, $0xb8;
	[tilespmem:$0x10800] =	vst v63  }
0x124: {  	_ =	swait.ge [sflag:s16], $0x4000  }
0x125: {  	[sflag:s16] =	ssyncset.done $0x0  }
0x126: {  	[sflag:s16] =	ssyncadd.s32 $0xFFFFC000  }
0x127: {  	_ =	swait.ge [sflag:s13], $0x4000  }
0x128: {  	[sflag:s13] =	ssyncset.done $0x0  }
0x129: {  	s0 =	rddreg [dreg:$0xe];
	[sflag:s13] =	ssyncadd.s32 $0xFFFFC000  }
0x12a: {  	[hbm4b:s0+s2] =	stream.linear.scatter [tilespmem:s5], [sflag:$0x6], $0x4000, $0x38;
	[tilespmem:$0x10800] =	vst v63  }
0x12b: {  	s18 =	rddreg [dreg:$0xf]  }
0x12c: {  	[hbm4b:s18+s2] =	stream.linear.scatter [tilespmem:s8], [sflag:$0x8], $0x4000, $0x38;
	[tilespmem:$0x10800] =	vst v63  }
0x12d: {  	_ =	swait.ge [sflag:s10], $0x4000  }
0x12e: {  	[sflag:s10] =	ssyncset.done $0x0  }
0x12f: {  	[sflag:s10] =	ssyncadd.s32 $0xFFFFC000  }
0x130: {  	_ =	swait.ge [sflag:s7], $0x4000  }
0x131: {  	[sflag:s7] =	ssyncset.done $0x0  }
0x132: {  	[sflag:s7] =	ssyncadd.s32 $0xFFFFC000  }
0x133: {  	[tilespmem:s5], [sflag:$0x2] =	stream.indirect.gather [hbm4b:s3+s14], $0x80, s19, s14, $0xb8;
	[tilespmem:$0x10800] =	vst v63  }
0x134: {  	_ = 	snop  }
0x135: {  	[tilespmem:s8], [sflag:$0x4] =	stream.indirect.gather [hbm4b:s4+s14], $0x80, s20, s14, $0xb8;
	[tilespmem:$0x10800] =	vst v63  }
0x136: {  	_ =	swait.ge [sflag:s17], $0x4000  }
0x137: {  	[sflag:s17] =	ssyncset.done $0x0  }
0x138: {  	[sflag:s17] =	ssyncadd.s32 $0xFFFFC000  }
0x139: {  	_ =	swait.ge [sflag:s15], $0x4000  }
0x13a: {  	[sflag:s15] =	ssyncset.done $0x0  }
0x13b: {  	s0 =	rddreg [dreg:$0x10];
	[sflag:s15] =	ssyncadd.s32 $0xFFFFC000  }
0x13c: {  	[hbm4b:s0+s2] =	stream.linear.scatter [tilespmem:s11], [sflag:$0x5], $0x4000, $0x38;
	[tilespmem:$0x10800] =	vst v63  }
0x13d: {  	s18 =	rddreg [dreg:$0x11]  }
0x13e: {  	[hbm4b:s18+s2] =	stream.linear.scatter [tilespmem:s12], [sflag:$0x7], $0x4000, $0x38;
	[tilespmem:$0x10800] =	vst v63  }
0x13f: {  	_ =	swait.ge [sflag:s16], $0x4000  }
0x140: {  	[sflag:s16] =	ssyncset.done $0x0  }
0x141: {  	[sflag:s16] =	ssyncadd.s32 $0xFFFFC000  }
0x142: {  	_ =	swait.ge [sflag:s13], $0x4000  }
0x143: {  	[sflag:s13] =	ssyncset.done $0x0  }
0x144: {  	s0 =	rddreg [dreg:$0x12];
	[sflag:s13] =	ssyncadd.s32 $0xFFFFC000  }
0x145: {  	[hbm4b:s0+s2] =	stream.linear.scatter [tilespmem:s5], [sflag:$0x6], $0x4000, $0x38;
	[tilespmem:$0x10800] =	vst v63  }
0x146: {  	s18 =	rddreg [dreg:$0x13]  }
0x147: {  	[hbm4b:s18+s2] =	stream.linear.scatter [tilespmem:s8], [sflag:$0x8], $0x4000, $0x38;
	[tilespmem:$0x10800] =	vst v63  }
0x148: {  	_ =	swait.ge [sflag:s9], $0x4000  }
0x149: {  	[sflag:s9] =	ssyncset.done $0x0  }
0x14a: {  	[sflag:s9] =	ssyncadd.s32 $0xFFFFC000  }
0x14b: {  	_ =	swait.ge [sflag:s6], $0x4000  }
0x14c: {  	[sflag:s6] =	ssyncset.done $0x0  }
0x14d: {  	p1 =	sne.s32 s1, $0x1;
	[sflag:s6] =	ssyncadd.s32 $0xFFFFC000  }
.Ltmp2:
0x14e: {  	_ =	swait.ge [sflag:s10], $0x4000;
	(pc) =	sbr.rel @p1 .LBB2_4-.Ltmp2, $4  }
0x14f: {  	[sflag:s10] =	ssyncset.done $0x0  }
0x150: {  	[sflag:s10] =	ssyncadd.s32 $0xFFFFC000  }
0x151: {  	_ =	swait.ge [sflag:s7], $0x4000  }
0x152: {  	s1 =	sadd.s32 $0xFFFFFFFF, s1;
	s0 =	rddreg [dreg:$0x2];
	[sflag:s7] =	ssyncset.done $0x0  }
0x153: {  	s20 =	simm.s32 $0x500;
	s29 =	simm.s32 $0x580  }
0x154: {  	s28 =	simm.s32 $0x180;
	s26 =	simm.s32 $0x600;
	s25 =	simm.s32 $0x200  }
0x155: {  	s24 =	simm.s32 $0x680;
	s23 =	simm.s32 $0x280;
	s22 =	simm.s32 $0x700  }
0x156: {  	s21 =	simm.s32 $0x300;
	s19 =	simm.s32 $0x380;
	s18 =	stileid.u32  }
.LBB2_6:
0x157: {  	[sflag:s7] =	ssyncadd.s32 @p0 $0xFFFFC000  }
0x158: {  	[tilespmem:s2], [sflag:$0x9] =	stream.linear.gather [hbm4b:s0+s2], $0x400, $0x38;
	[tilespmem:$0x10800] =	vst v63  }
0x159: {  	_ =	swait.ge [sflag:s31], $0x400  }
0x15a: {  	[sflag:s31] =	ssyncset.done $0x0  }
0x15b: {  	s1 =	rddreg [dreg:$0x3];
	[sflag:s31] =	ssyncadd.s32 $0xFFFFFC00  }
0x15c: {  	[tilespmem:s30], [sflag:$0x9] =	stream.linear.gather [hbm4b:s1+s2], $0x400, $0x38;
	[tilespmem:$0x10800] =	vst v63  }
0x15d: {  	_ =	swait.ge [sflag:s31], $0x400  }
0x15e: {  	[sflag:s31] =	ssyncset.done $0x0  }
0x15f: {  	[sflag:s31] =	ssyncadd.s32 $0xFFFFFC00  }
0x160: {  	[tilespmem:s11], [sflag:$0x1] =	stream.indirect.gather [hbm4b:s3+s14], $0x80, s2, s14, $0xb8;
	[tilespmem:$0x10800] =	vst v63  }
0x161: {  	_ = 	snop  }
0x162: {  	[tilespmem:s12], [sflag:$0x3] =	stream.indirect.gather [hbm4b:s4+s14], $0x80, s30, s14, $0xb8;
	[tilespmem:$0x10800] =	vst v63  }
0x163: {  	_ = 	snop  }
0x164: {  	[tilespmem:s5], [sflag:$0x2] =	stream.indirect.gather [hbm4b:s3+s14], $0x80, s14, s14, $0xb8;
	[tilespmem:$0x10800] =	vst v63  }
0x165: {  	s1 =	rddreg [dreg:$0x14]  }
0x166: {  	[tilespmem:s8], [sflag:$0x4] =	stream.indirect.gather [hbm4b:s4+s14], $0x80, s1, s14, $0xb8;
	[tilespmem:$0x10800] =	vst v63  }
0x167: {  	_ =	swait.ge [sflag:s17], $0x4000  }
0x168: {  	[sflag:s17] =	ssyncset.done $0x0  }
0x169: {  	[sflag:s17] =	ssyncadd.s32 $0xFFFFC000  }
0x16a: {  	_ =	swait.ge [sflag:s15], $0x4000  }
0x16b: {  	[sflag:s15] =	ssyncset.done $0x0  }
0x16c: {  	s30 =	rddreg [dreg:$0x4];
	[sflag:s15] =	ssyncadd.s32 $0xFFFFC000  }
0x16d: {  	[hbm4b:s30+s2] =	stream.linear.scatter [tilespmem:s11], [sflag:$0x5], $0x4000, $0x38;
	[tilespmem:$0x10800] =	vst v63  }
0x16e: {  	s1 =	rddreg [dreg:$0x5]  }
0x16f: {  	[hbm4b:s1+s2] =	stream.linear.scatter [tilespmem:s12], [sflag:$0x7], $0x4000, $0x38;
	[tilespmem:$0x10800] =	vst v63  }
0x170: {  	_ =	swait.ge [sflag:s9], $0x4000  }
0x171: {  	[sflag:s9] =	ssyncset.done $0x0  }
0x172: {  	[sflag:s9] =	ssyncadd.s32 $0xFFFFC000  }
0x173: {  	_ =	swait.ge [sflag:s6], $0x4000  }
0x174: {  	[sflag:s6] =	ssyncset.done $0x0  }
0x175: {  	s31 =	rddreg [dreg:$0x15];
	[sflag:s6] =	ssyncadd.s32 $0xFFFFC000  }
0x176: {  	[tilespmem:s11], [sflag:$0x1] =	stream.indirect.gather [hbm4b:s3+s14], $0x80, s31, s14, $0xb8;
	[tilespmem:$0x10800] =	vst v63  }
0x177: {  	_ = 	snop  }
0x178: {  	[tilespmem:s12], [sflag:$0x3] =	stream.indirect.gather [hbm4b:s4+s14], $0x80, s20, s14, $0xb8;
	[tilespmem:$0x10800] =	vst v63  }
0x179: {  	_ =	swait.ge [sflag:s16], $0x4000  }
0x17a: {  	[sflag:s16] =	ssyncset.done $0x0  }
0x17b: {  	[sflag:s16] =	ssyncadd.s32 $0xFFFFC000  }
0x17c: {  	_ =	swait.ge [sflag:s13], $0x4000  }
0x17d: {  	[sflag:s13] =	ssyncset.done $0x0  }
0x17e: {  	s1 =	rddreg [dreg:$0x6];
	[sflag:s13] =	ssyncadd.s32 $0xFFFFC000  }
0x17f: {  	[hbm4b:s1+s2] =	stream.linear.scatter [tilespmem:s5], [sflag:$0x6], $0x4000, $0x38;
	[tilespmem:$0x10800] =	vst v63  }
0x180: {  	s20 =	rddreg [dreg:$0x7]  }
0x181: {  	[hbm4b:s20+s2] =	stream.linear.scatter [tilespmem:s8], [sflag:$0x8], $0x4000, $0x38;
	[tilespmem:$0x10800] =	vst v63  }
0x182: {  	_ =	swait.ge [sflag:s10], $0x4000  }
0x183: {  	[sflag:s10] =	ssyncset.done $0x0  }
0x184: {  	[sflag:s10] =	ssyncadd.s32 $0xFFFFC000  }
0x185: {  	_ =	swait.ge [sflag:s7], $0x4000  }
0x186: {  	[sflag:s7] =	ssyncset.done $0x0  }
0x187: {  	[sflag:s7] =	ssyncadd.s32 $0xFFFFC000  }
0x188: {  	[tilespmem:s5], [sflag:$0x2] =	stream.indirect.gather [hbm4b:s3+s14], $0x80, s28, s14, $0xb8;
	[tilespmem:$0x10800] =	vst v63  }
0x189: {  	_ = 	snop  }
0x18a: {  	[tilespmem:s8], [sflag:$0x4] =	stream.indirect.gather [hbm4b:s4+s14], $0x80, s29, s14, $0xb8;
	[tilespmem:$0x10800] =	vst v63  }
0x18b: {  	_ =	swait.ge [sflag:s17], $0x4000  }
0x18c: {  	[sflag:s17] =	ssyncset.done $0x0  }
0x18d: {  	[sflag:s17] =	ssyncadd.s32 $0xFFFFC000  }
0x18e: {  	_ =	swait.ge [sflag:s15], $0x4000  }
0x18f: {  	[sflag:s15] =	ssyncset.done $0x0  }
0x190: {  	s28 =	rddreg [dreg:$0x8];
	[sflag:s15] =	ssyncadd.s32 $0xFFFFC000  }
0x191: {  	[hbm4b:s28+s2] =	stream.linear.scatter [tilespmem:s11], [sflag:$0x5], $0x4000, $0x38;
	[tilespmem:$0x10800] =	vst v63  }
0x192: {  	s29 =	rddreg [dreg:$0x9]  }
0x193: {  	[hbm4b:s29+s2] =	stream.linear.scatter [tilespmem:s12], [sflag:$0x7], $0x4000, $0x38;
	[tilespmem:$0x10800] =	vst v63  }
0x194: {  	_ =	swait.ge [sflag:s9], $0x4000  }
0x195: {  	[sflag:s9] =	ssyncset.done $0x0  }
0x196: {  	[sflag:s9] =	ssyncadd.s32 $0xFFFFC000  }
0x197: {  	_ =	swait.ge [sflag:s6], $0x4000  }
0x198: {  	[sflag:s6] =	ssyncset.done $0x0  }
0x199: {  	[sflag:s6] =	ssyncadd.s32 $0xFFFFC000  }
0x19a: {  	[tilespmem:s11], [sflag:$0x1] =	stream.indirect.gather [hbm4b:s3+s14], $0x80, s25, s14, $0xb8;
	[tilespmem:$0x10800] =	vst v63  }
0x19b: {  	_ = 	snop  }
0x19c: {  	[tilespmem:s12], [sflag:$0x3] =	stream.indirect.gather [hbm4b:s4+s14], $0x80, s26, s14, $0xb8;
	[tilespmem:$0x10800] =	vst v63  }
0x19d: {  	_ =	swait.ge [sflag:s16], $0x4000  }
0x19e: {  	[sflag:s16] =	ssyncset.done $0x0  }
0x19f: {  	[sflag:s16] =	ssyncadd.s32 $0xFFFFC000  }
0x1a0: {  	_ =	swait.ge [sflag:s13], $0x4000  }
0x1a1: {  	[sflag:s13] =	ssyncset.done $0x0  }
0x1a2: {  	s30 =	rddreg [dreg:$0xa];
	[sflag:s13] =	ssyncadd.s32 $0xFFFFC000  }
0x1a3: {  	[hbm4b:s30+s2] =	stream.linear.scatter [tilespmem:s5], [sflag:$0x6], $0x4000, $0x38;
	[tilespmem:$0x10800] =	vst v63  }
0x1a4: {  	s31 =	rddreg [dreg:$0xb]  }
0x1a5: {  	[hbm4b:s31+s2] =	stream.linear.scatter [tilespmem:s8], [sflag:$0x8], $0x4000, $0x38;
	[tilespmem:$0x10800] =	vst v63  }
0x1a6: {  	_ =	swait.ge [sflag:s10], $0x4000  }
0x1a7: {  	[sflag:s10] =	ssyncset.done $0x0  }
0x1a8: {  	[sflag:s10] =	ssyncadd.s32 $0xFFFFC000  }
0x1a9: {  	_ =	swait.ge [sflag:s7], $0x4000  }
0x1aa: {  	[sflag:s7] =	ssyncset.done $0x0  }
0x1ab: {  	[sflag:s7] =	ssyncadd.s32 $0xFFFFC000  }
0x1ac: {  	[tilespmem:s5], [sflag:$0x2] =	stream.indirect.gather [hbm4b:s3+s14], $0x80, s23, s14, $0xb8;
	[tilespmem:$0x10800] =	vst v63  }
0x1ad: {  	_ = 	snop  }
0x1ae: {  	[tilespmem:s8], [sflag:$0x4] =	stream.indirect.gather [hbm4b:s4+s14], $0x80, s24, s14, $0xb8;
	[tilespmem:$0x10800] =	vst v63  }
0x1af: {  	_ =	swait.ge [sflag:s17], $0x4000  }
0x1b0: {  	[sflag:s17] =	ssyncset.done $0x0  }
0x1b1: {  	[sflag:s17] =	ssyncadd.s32 $0xFFFFC000  }
0x1b2: {  	_ =	swait.ge [sflag:s15], $0x4000  }
0x1b3: {  	[sflag:s15] =	ssyncset.done $0x0  }
0x1b4: {  	s20 =	rddreg [dreg:$0xc];
	[sflag:s15] =	ssyncadd.s32 $0xFFFFC000  }
0x1b5: {  	[hbm4b:s20+s2] =	stream.linear.scatter [tilespmem:s11], [sflag:$0x5], $0x4000, $0x38;
	[tilespmem:$0x10800] =	vst v63  }
0x1b6: {  	s23 =	rddreg [dreg:$0xd]  }
0x1b7: {  	[hbm4b:s23+s2] =	stream.linear.scatter [tilespmem:s12], [sflag:$0x7], $0x4000, $0x38;
	[tilespmem:$0x10800] =	vst v63  }
0x1b8: {  	_ =	swait.ge [sflag:s9], $0x4000  }
0x1b9: {  	[sflag:s9] =	ssyncset.done $0x0  }
0x1ba: {  	[sflag:s9] =	ssyncadd.s32 $0xFFFFC000  }
0x1bb: {  	_ =	swait.ge [sflag:s6], $0x4000  }
0x1bc: {  	[sflag:s6] =	ssyncset.done $0x0  }
0x1bd: {  	[sflag:s6] =	ssyncadd.s32 $0xFFFFC000  }
0x1be: {  	[tilespmem:s11], [sflag:$0x1] =	stream.indirect.gather [hbm4b:s3+s14], $0x80, s21, s14, $0xb8;
	[tilespmem:$0x10800] =	vst v63  }
0x1bf: {  	_ = 	snop  }
0x1c0: {  	[tilespmem:s12], [sflag:$0x3] =	stream.indirect.gather [hbm4b:s4+s14], $0x80, s22, s14, $0xb8;
	[tilespmem:$0x10800] =	vst v63  }
0x1c1: {  	_ =	swait.ge [sflag:s16], $0x4000  }
0x1c2: {  	[sflag:s16] =	ssyncset.done $0x0  }
0x1c3: {  	[sflag:s16] =	ssyncadd.s32 $0xFFFFC000  }
0x1c4: {  	_ =	swait.ge [sflag:s13], $0x4000  }
0x1c5: {  	[sflag:s13] =	ssyncset.done $0x0  }
0x1c6: {  	s24 =	rddreg [dreg:$0xe];
	[sflag:s13] =	ssyncadd.s32 $0xFFFFC000  }
0x1c7: {  	[hbm4b:s24+s2] =	stream.linear.scatter [tilespmem:s5], [sflag:$0x6], $0x4000, $0x38;
	[tilespmem:$0x10800] =	vst v63  }
0x1c8: {  	s25 =	rddreg [dreg:$0xf]  }
0x1c9: {  	[hbm4b:s25+s2] =	stream.linear.scatter [tilespmem:s8], [sflag:$0x8], $0x4000, $0x38;
	[tilespmem:$0x10800] =	vst v63  }
0x1ca: {  	_ =	swait.ge [sflag:s10], $0x4000  }
0x1cb: {  	[sflag:s10] =	ssyncset.done $0x0  }
0x1cc: {  	[sflag:s10] =	ssyncadd.s32 $0xFFFFC000  }
0x1cd: {  	_ =	swait.ge [sflag:s7], $0x4000  }
0x1ce: {  	[sflag:s7] =	ssyncset.done $0x0  }
0x1cf: {  	[sflag:s7] =	ssyncadd.s32 $0xFFFFC000  }
0x1d0: {  	[tilespmem:s5], [sflag:$0x2] =	stream.indirect.gather [hbm4b:s3+s14], $0x80, s19, s14, $0xb8;
	[tilespmem:$0x10800] =	vst v63  }
0x1d1: {  	s26 =	simm.s32 $0x780  }
0x1d2: {  	[tilespmem:s8], [sflag:$0x4] =	stream.indirect.gather [hbm4b:s4+s14], $0x80, s26, s14, $0xb8;
	[tilespmem:$0x10800] =	vst v63  }
0x1d3: {  	_ =	swait.ge [sflag:s17], $0x4000  }
0x1d4: {  	[sflag:s17] =	ssyncset.done $0x0  }
0x1d5: {  	[sflag:s17] =	ssyncadd.s32 $0xFFFFC000  }
0x1d6: {  	_ =	swait.ge [sflag:s15], $0x4000  }
0x1d7: {  	[sflag:s15] =	ssyncset.done $0x0  }
0x1d8: {  	s28 =	rddreg [dreg:$0x10];
	[sflag:s15] =	ssyncadd.s32 $0xFFFFC000  }
0x1d9: {  	[hbm4b:s28+s2] =	stream.linear.scatter [tilespmem:s11], [sflag:$0x5], $0x4000, $0x38;
	[tilespmem:$0x10800] =	vst v63  }
0x1da: {  	s29 =	rddreg [dreg:$0x11]  }
0x1db: {  	[hbm4b:s29+s2] =	stream.linear.scatter [tilespmem:s12], [sflag:$0x7], $0x4000, $0x38;
	[tilespmem:$0x10800] =	vst v63  }
0x1dc: {  	_ =	swait.ge [sflag:s16], $0x4000  }
0x1dd: {  	[sflag:s16] =	ssyncset.done $0x0  }
0x1de: {  	[sflag:s16] =	ssyncadd.s32 $0xFFFFC000  }
0x1df: {  	_ =	swait.ge [sflag:s13], $0x4000  }
0x1e0: {  	[sflag:s13] =	ssyncset.done $0x0  }
0x1e1: {  	s30 =	rddreg [dreg:$0x12];
	[sflag:s13] =	ssyncadd.s32 $0xFFFFC000  }
0x1e2: {  	[hbm4b:s30+s2] =	stream.linear.scatter [tilespmem:s5], [sflag:$0x6], $0x4000, $0x38;
	[tilespmem:$0x10800] =	vst v63  }
0x1e3: {  	s31 =	rddreg [dreg:$0x13]  }
0x1e4: {  	[hbm4b:s31+s2] =	stream.linear.scatter [tilespmem:s8], [sflag:$0x8], $0x4000, $0x38;
	[tilespmem:$0x10800] =	vst v63  }
0x1e5: {  	_ =	swait.ge [sflag:s9], $0x4000  }
0x1e6: {  	[sflag:s9] =	ssyncset.done $0x0  }
0x1e7: {  	[sflag:s9] =	ssyncadd.s32 $0xFFFFC000  }
0x1e8: {  	_ =	swait.ge [sflag:s6], $0x4000  }
0x1e9: {  	[sflag:s6] =	ssyncset.done $0x0  }
0x1ea: {  	[sflag:s6] =	ssyncadd.s32 $0xFFFFC000  }
0x1eb: {  	_ =	swait.ge [sflag:s10], $0x4000  }
0x1ec: {  	[sflag:s10] =	ssyncset.done $0x0  }
0x1ed: {  	[sflag:s10] =	ssyncadd.s32 $0xFFFFC000  }
0x1ee: {  	_ =	swait.ge [sflag:s7], $0x4000  }
0x1ef: {  	[sflag:s7] =	ssyncset.done $0x0  }
0x1f0: {  	[sflag:s7] =	ssyncadd.s32 $0xFFFFC000  }
0x1f1: {  	_ =	sfence.sel $0x180000  }
0x1f2: {  	[bflag:$0x0] =	sbarrier.arrive $0xFFFF  }
0x1f3: {  	_ =	strace $0x90000047  }
0x1f4: {  	[bflag:$0x2] =	sbarrier.arrive $0xFFFF  }
0x1f5: {  	p0 =	sne.s32 s18, $0x0;
	s0 =	rddreg [dreg:$0x1]  }
0x1f6: {  	s0 =	sadd.s32 @!p0 $0x100000, s0  }
0x1f7: {  	[sflag:s0] =	ssyncadd.tile.s32 @!p0 $0x1;
	_ =	shalt  }
.LBB2_1:
.Ltmp3:
0x1f8: {  	(pc) =	sbr.rel .LBB2_6-.Ltmp3, $4  }
0x1f9: {  	s20 =	simm.s32 $0x500  }
0x1fa: {  	s29 =	simm.s32 $0x580;
	s28 =	simm.s32 $0x180;
	s26 =	simm.s32 $0x600  }
0x1fb: {  	s25 =	simm.s32 $0x200;
	s24 =	simm.s32 $0x680;
	s23 =	simm.s32 $0x280  }
0x1fc: {  	s22 =	simm.s32 $0x700;
	s21 =	simm.s32 $0x300;
	s19 =	simm.s32 $0x380  }
.LBB2_3:
.Ltmp4:
0x1fd: {  	(pc) =	sbr.rel .LBB2_6-.Ltmp4, $4  }
0x1fe: {  	s20 =	simm.s32 $0x500;
	s29 =	simm.s32 $0x580  }
0x1ff: {  	s28 =	simm.s32 $0x180;
	s26 =	simm.s32 $0x600;
	s25 =	simm.s32 $0x200  }
0x200: {  	s24 =	simm.s32 $0x680;
	s23 =	simm.s32 $0x280;
	s22 =	simm.s32 $0x700  }
0x201: {  	s21 =	simm.s32 $0x300;
	s19 =	simm.s32 $0x380;
	s18 =	stileid.u32  }
.Lfunc_end2:
_tile_overlayer_lowered:
.L_overlay_start_2:
0x202: {  	(tag) =	ssettag $0x2  }
0x203: {  	s0 =	rddreg [dreg:$0x0];
	s2 =	stileid.u32  }
0x204: {  	s1 =	rddreg [dreg:$0x1];
	p0 =	sne.s32 s2, $0x0  }
0x205: {  	s3 =	rddreg [dreg:$0x2];
	[bflag:$0x3] =	sbarrier.arrive $0xFFFF;
	s2 =	simm.s32 @!p0 $0x1C09  }
0x206: {  	[timem:s3], [sflag:s2] =	dma.local @!p0 [hbm:s0], s1  }
0x207: {  	s0 =	simm.s32 @!p0 $0x9  }
0x208: {  	_ =	swait.ge @!p0 [sflag:s0], s1  }
0x209: {  	s1 =	ssub.s32 @!p0 $0x0, s1;
	[sflag:s0] =	ssyncset.done @!p0 $0x0  }
0x20a: {  	[sflag:s0] =	ssyncadd.s32 @!p0 s1  }
0x20b: {  	[bflag:$0x3] =	sbarrier.arrive $0xFFFF  }
0x20c: {  	_ =	shalt  }

</sc_bundles>
